<compile_context>
chip_gen: v7x
topology: tpu7x:2x2x1
jax: 0.10.2.dev20260603
libtpu: 0.0.44.dev20260713+nightly
codegen_flags: <defaults>
</compile_context>

<pallas_src>
import jax
import jax.numpy as jnp
from jax import lax
from jax.experimental import pallas as pl
from jax.experimental.pallas import tpu as pltpu
from jax.experimental.pallas import tpu_sc as plsc

B = 1024
P = 12
S = B * P
NW = 32
SPW = S // NW
C = 16
NCH = SPW // C
IDXW = SPW * 17

_OFF_POK = 0
_OFF_SA = SPW
_OFF_SI = SPW * 4
_OFF_SM = SPW * 6
_OFF_ABIL = SPW * 10
_OFF_MV = SPW * 11
_OFF_ITEM = SPW * 15
_OFF_PREP = SPW * 16

_GATHERS = (
    (_OFF_POK, 1, 0, 0),
    (_OFF_SA, 3, 1, 1),
    (_OFF_SI, 2, 2, 2),
    (_OFF_SM, 4, 3, 3),
    (_OFF_ABIL, 1, 1, 4),
    (_OFF_MV, 4, 3, 5),
    (_OFF_ITEM, 1, 2, 6),
    (_OFF_PREP, 1, 3, 7),
)
_BUFSHAPES = ((C, 384), (3 * C, 128), (2 * C, 128), (4 * C, 256),
              (C, 128), (4 * C, 256), (C, 128), (C, 256))


def _sc_body(idx_hbm, pok_h, ab_h, it_h, mv_h,
             o_pok, o_sa, o_si, o_sm, o_abil, o_mv, o_item, o_prep,
             idx_v, bufs0, bufs1, sems):
    tables = (pok_h, ab_h, it_h, mv_h)
    bufsets = (bufs0, bufs1)
    outs = (o_pok, o_sa, o_si, o_sm, o_abil, o_mv, o_item, o_prep)
    wid = lax.axis_index("s") * 2 + lax.axis_index("c")
    base = wid * SPW
    pltpu.sync_copy(idx_hbm.at[wid], idx_v)
    gsem = (sems[0], sems[1])
    osem = (sems[2], sems[3])

    def issue_gathers(i, par):
        bufs = bufsets[par]
        for n, (off, k, t, b) in enumerate(_GATHERS):
            io = pl.multiple_of(off + i * (k * C), 8)
            pltpu.async_copy(
                tables[t].at[idx_v.at[pl.ds(io, k * C)]], bufs[b], gsem[par])

    def wait_gathers(par):
        bufs = bufsets[par]
        for (off, k, t, b) in _GATHERS:
            pltpu.make_async_copy(
                tables[t].at[pl.ds(0, k * C)], bufs[b], gsem[par]).wait()

    def issue_outs(i, par):
        bufs = bufsets[par]
        s0 = base + i * C
        for (off, k, t, b) in _GATHERS:
            oo = pl.multiple_of(k * s0, 8)
            pltpu.async_copy(bufs[b], outs[b].at[pl.ds(oo, k * C)], osem[par])

    def wait_outs(par):
        bufs = bufsets[par]
        for (off, k, t, b) in _GATHERS:
            pltpu.make_async_copy(
                bufs[b], outs[b].at[pl.ds(0, k * C)], osem[par]).wait()

    issue_gathers(0, 0)

    def step(i, carry):
        for par in (0, 1):
            j = i + par
            wait_gathers(par)
            issue_outs(j, par)
            nxt = 1 - par
            nj = j + 1

            @pl.when(nj < NCH)
            def _():
                @pl.when(nj >= 2)
                def _():
                    wait_outs(nxt)
                issue_gathers(nj, nxt)
        return carry

    lax.fori_loop(0, NCH // 2, lambda it, c: step(2 * it, c), 0, unroll=False)
    wait_outs(0)
    wait_outs(1)


_QB = 128
_NQ = _QB // C


def _asm_body(pok, sa, si, sm, abil, mv, item, prep, raw, out):
    rawv = raw[...]

    def branch(p):
        def f():
            segs = []
            for q in range(_NQ):
                segs.append(jnp.concatenate([
                    pok[0, q][:, :291],
                    sa[0, q, 0][:, :51], sa[0, q, 1][:, :51],
                    sa[0, q, 2][:, :51],
                    si[0, q, 0][:, :51], si[0, q, 1][:, :51],
                    sm[0, q, 0][:, :154], sm[0, q, 1][:, :154],
                    sm[0, q, 2][:, :154], sm[0, q, 3][:, :154],
                    rawv[q * C:(q + 1) * C, p, :],
                    abil[0, q][:, :51],
                    mv[0, q, 0][:, :154], mv[0, q, 1][:, :154],
                    mv[0, q, 2][:, :154], mv[0, q, 3][:, :154],
                    item[0, q][:, :51], prep[0, q][:, :154]], axis=-1))
            blk = jnp.concatenate(segs, axis=0)
            out[p * 2371:(p + 1) * 2371, :] = blk.T
        return f

    lax.switch(pl.program_id(1), [branch(p) for p in range(12)])


def _assemble(o, raw):
    nc = B // C
    f = pl.pallas_call(
        _asm_body,
        grid=(B // _QB, P),
        in_specs=[
            pl.BlockSpec((1, _NQ, C, 384), lambda i, p: (p, i, 0, 0)),
            pl.BlockSpec((1, _NQ, 3, C, 128), lambda i, p: (p, i, 0, 0, 0)),
            pl.BlockSpec((1, _NQ, 2, C, 128), lambda i, p: (p, i, 0, 0, 0)),
            pl.BlockSpec((1, _NQ, 4, C, 256), lambda i, p: (p, i, 0, 0, 0)),
            pl.BlockSpec((1, _NQ, C, 128), lambda i, p: (p, i, 0, 0)),
            pl.BlockSpec((1, _NQ, 4, C, 256), lambda i, p: (p, i, 0, 0, 0)),
            pl.BlockSpec((1, _NQ, C, 128), lambda i, p: (p, i, 0, 0)),
            pl.BlockSpec((1, _NQ, C, 256), lambda i, p: (p, i, 0, 0)),
            pl.BlockSpec((_QB, P, 337), lambda i, p: (i, 0, 0)),
        ],
        out_specs=pl.BlockSpec((P * 2371, _QB), lambda i, p: (0, i)),
        out_shape=jax.ShapeDtypeStruct((P * 2371, B), jnp.float32),
        compiler_params=pltpu.CompilerParams(
            vmem_limit_bytes=56 * 1024 * 1024),
    )
    return f(o[0].reshape(P, nc, C, 384),
             o[1].reshape(P, nc, 3, C, 128),
             o[2].reshape(P, nc, 2, C, 128),
             o[3].reshape(P, nc, 4, C, 256),
             o[4].reshape(P, nc, C, 128),
             o[5].reshape(P, nc, 4, C, 256),
             o[6].reshape(P, nc, C, 128),
             o[7].reshape(P, nc, C, 256),
             raw)


@jax.jit
def _run(idx, pok_h, ab_h, it_h, mv_h):
    mesh = plsc.VectorSubcoreMesh(core_axis_name="c", subcore_axis_name="s")
    f = pl.kernel(
        _sc_body,
        out_type=(
            jax.ShapeDtypeStruct((S, 384), jnp.float32),
            jax.ShapeDtypeStruct((3 * S, 128), jnp.float32),
            jax.ShapeDtypeStruct((2 * S, 128), jnp.float32),
            jax.ShapeDtypeStruct((4 * S, 256), jnp.float32),
            jax.ShapeDtypeStruct((S, 128), jnp.float32),
            jax.ShapeDtypeStruct((4 * S, 256), jnp.float32),
            jax.ShapeDtypeStruct((S, 128), jnp.float32),
            jax.ShapeDtypeStruct((S, 256), jnp.float32),
        ),
        mesh=mesh,
        scratch_types=[
            pltpu.VMEM((IDXW,), jnp.int32),
            tuple(pltpu.VMEM(s, jnp.float32) for s in _BUFSHAPES),
            tuple(pltpu.VMEM(s, jnp.float32) for s in _BUFSHAPES),
            (pltpu.SemaphoreType.DMA, pltpu.SemaphoreType.DMA,
             pltpu.SemaphoreType.DMA, pltpu.SemaphoreType.DMA),
        ],
    )
    return f(idx, pok_h, ab_h, it_h, mv_h)


def kernel(pokemon_ids, species_ability_ids, species_item_ids,
           species_move_ids, ability_ids, move_ids, item_ids,
           preparing_move_ids, raw_features, pokemon_static, pokemon_learn,
           ability_static, ability_learn, item_static, item_learn,
           move_static, move_learn):
    def wm(x):
        x = x.reshape(B, P, -1).astype(jnp.int32)
        k = x.shape[2]
        x = x.transpose(1, 0, 2).reshape(P, B // C, C, k)
        return x.transpose(0, 1, 3, 2).reshape(NW, -1)
    idx = jnp.concatenate([
        wm(pokemon_ids), wm(species_ability_ids), wm(species_item_ids),
        wm(species_move_ids), wm(ability_ids), wm(move_ids),
        wm(item_ids), wm(preparing_move_ids)], axis=1)
    def pad_to(x, w):
        return jnp.pad(x, ((0, 0), (0, w - x.shape[1])))
    pok_h = pad_to(jnp.concatenate([pokemon_static, pokemon_learn], axis=1), 384)
    ab_h = pad_to(jnp.concatenate([ability_static, ability_learn], axis=1), 128)
    it_h = pad_to(jnp.concatenate([item_static, item_learn], axis=1), 128)
    mv_h = pad_to(jnp.concatenate([move_static, move_learn], axis=1), 256)
    o = _run(idx, pok_h, ab_h, it_h, mv_h)
    return _assemble(o, raw_features.astype(jnp.float32)).T

# --- scband reference (transcript-rebuilt; emitter-appended) ---
"""Pipeline reference for scband-timestep-encoder-52278341927499 (READ-ONLY COPY).

The authoritative reference and input builder live on the scoring server;
editing this copy changes nothing except your own understanding.
"""

import jax, jax.numpy as jnp
import numpy as np

NUM_ABILITIES = 313
NUM_ITEMS = 250
NUM_MOVES = 687
NUM_POKEMON = 1331
B = 1024
P = 12


def hybrid(ids, static_tab, learn_tab):
    # HybridEmbedding: concat of fixed static feature row and learnable embedding row
    return jnp.concatenate([jnp.take(static_tab, ids, axis=0), jnp.take(learn_tab, ids, axis=0)], axis=-1)


def setup_inputs(seed: int = 0) -> dict:
    key = jax.random.key(seed)
    ks = jax.random.split(key, 17)
    inp = {}
    inp["pokemon_ids"] = jax.random.randint(ks[0], (B, P), 0, NUM_POKEMON)
    inp["species_ability_ids"] = jax.random.randint(ks[1], (B, P, 3), 0, NUM_ABILITIES)
    inp["species_item_ids"] = jax.random.randint(ks[2], (B, P, 2), 0, NUM_ITEMS)
    inp["species_move_ids"] = jax.random.randint(ks[3], (B, P, 4), 0, NUM_MOVES)
    inp["ability_ids"] = jax.random.randint(ks[4], (B, P), 0, NUM_ABILITIES)
    inp["move_ids"] = jax.random.randint(ks[5], (B, P, 4), 0, NUM_MOVES)
    inp["item_ids"] = jax.random.randint(ks[6], (B, P), 0, NUM_ITEMS)
    inp["preparing_move_ids"] = jax.random.randint(ks[7], (B, P), 0, NUM_MOVES)
    inp["raw_features"] = jax.random.normal(ks[8], (B, P, 337), dtype=jnp.float32)
    inp["pokemon_static"] = jax.random.normal(ks[9], (NUM_POKEMON, 241), dtype=jnp.float32)
    inp["pokemon_learn"] = jax.random.normal(ks[10], (NUM_POKEMON, 50), dtype=jnp.float32)
    inp["ability_static"] = jax.random.normal(ks[11], (NUM_ABILITIES, 1), dtype=jnp.float32)
    inp["ability_learn"] = jax.random.normal(ks[12], (NUM_ABILITIES, 50), dtype=jnp.float32)
    inp["item_static"] = jax.random.normal(ks[13], (NUM_ITEMS, 1), dtype=jnp.float32)
    inp["item_learn"] = jax.random.normal(ks[14], (NUM_ITEMS, 50), dtype=jnp.float32)
    inp["move_static"] = jax.random.normal(ks[15], (NUM_MOVES, 104), dtype=jnp.float32)
    inp["move_learn"] = jax.random.normal(ks[16], (NUM_MOVES, 50), dtype=jnp.float32)
    return inp


def reference(pokemon_ids, species_ability_ids, species_item_ids, species_move_ids,
              ability_ids, move_ids, item_ids, preparing_move_ids, raw_features,
              pokemon_static, pokemon_learn, ability_static, ability_learn,
              item_static, item_learn, move_static, move_learn):
    b, p = pokemon_ids.shape
    # _encode_pokemon_species
    species_feat = hybrid(pokemon_ids, pokemon_static, pokemon_learn)                       # [B,P,291]
    sa = hybrid(species_ability_ids, ability_static, ability_learn).reshape(b, p, -1)        # [B,P,153]
    si = hybrid(species_item_ids, item_static, item_learn).reshape(b, p, -1)                 # [B,P,102]
    sm = hybrid(species_move_ids, move_static, move_learn).reshape(b, p, -1)                 # [B,P,616]
    species_features = jnp.concatenate([species_feat, sa, si, sm], axis=-1)
    # _encode_pokemon
    abil = hybrid(ability_ids, ability_static, ability_learn)                                # [B,P,51]
    moves = hybrid(move_ids, move_static, move_learn).reshape(b, p, -1)                      # [B,P,616]
    items = hybrid(item_ids, item_static, item_learn)                                        # [B,P,51]
    prep = hybrid(preparing_move_ids, move_static, move_learn)                               # [B,P,154]
    individual_features = jnp.concatenate([raw_features, abil, moves, items, prep], axis=-1)
    pokemon_features = jnp.concatenate([species_features, individual_features], axis=-1)     # [B,P,2371]
    return pokemon_features.reshape(b, -1)                                                   # [B, 28452]

if __name__ == "__main__":
    import jax
    _d = setup_inputs()
    print(jax.jit(kernel)(*tuple(_d.values())))

</pallas_src>

<mosaic_0001>
#map = affine_map<(d0, d1) -> (0, 0)>
module attributes {stable_mosaic.version = 14 : i64} {
  func.func @_sc_body(%arg0: i32, %arg1: i32, %arg2: memref<32x6528xi32, #tpu.memory_space<hbm>>, %arg3: memref<1331x384xf32, #tpu.memory_space<hbm>>, %arg4: memref<313x128xf32, #tpu.memory_space<hbm>>, %arg5: memref<250x128xf32, #tpu.memory_space<hbm>>, %arg6: memref<687x256xf32, #tpu.memory_space<hbm>>, %arg7: memref<12288x384xf32, #tpu.memory_space<hbm>>, %arg8: memref<36864x128xf32, #tpu.memory_space<hbm>>, %arg9: memref<24576x128xf32, #tpu.memory_space<hbm>>, %arg10: memref<49152x256xf32, #tpu.memory_space<hbm>>, %arg11: memref<12288x128xf32, #tpu.memory_space<hbm>>, %arg12: memref<49152x256xf32, #tpu.memory_space<hbm>>, %arg13: memref<12288x128xf32, #tpu.memory_space<hbm>>, %arg14: memref<12288x256xf32, #tpu.memory_space<hbm>>, %arg15: memref<6528xi32, #tpu.memory_space<vmem>>, %arg16: memref<16x384xf32, #tpu.memory_space<vmem>>, %arg17: memref<48x128xf32, #tpu.memory_space<vmem>>, %arg18: memref<32x128xf32, #tpu.memory_space<vmem>>, %arg19: memref<64x256xf32, #tpu.memory_space<vmem>>, %arg20: memref<16x128xf32, #tpu.memory_space<vmem>>, %arg21: memref<64x256xf32, #tpu.memory_space<vmem>>, %arg22: memref<16x128xf32, #tpu.memory_space<vmem>>, %arg23: memref<16x256xf32, #tpu.memory_space<vmem>>, %arg24: memref<16x384xf32, #tpu.memory_space<vmem>>, %arg25: memref<48x128xf32, #tpu.memory_space<vmem>>, %arg26: memref<32x128xf32, #tpu.memory_space<vmem>>, %arg27: memref<64x256xf32, #tpu.memory_space<vmem>>, %arg28: memref<16x128xf32, #tpu.memory_space<vmem>>, %arg29: memref<64x256xf32, #tpu.memory_space<vmem>>, %arg30: memref<16x128xf32, #tpu.memory_space<vmem>>, %arg31: memref<16x256xf32, #tpu.memory_space<vmem>>, %arg32: memref<!tpu.dma_semaphore, #tpu.memory_space<semaphore_mem>>, %arg33: memref<!tpu.dma_semaphore, #tpu.memory_space<semaphore_mem>>, %arg34: memref<!tpu.dma_semaphore, #tpu.memory_space<semaphore_mem>>, %arg35: memref<!tpu.dma_semaphore, #tpu.memory_space<semaphore_mem>>) attributes {dimension_semantics = [#tpu.dimension_semantics<core_parallel>, #tpu.dimension_semantics<subcore_parallel>], iteration_bounds = array<i64: 2, 16>, scalar_prefetch = 0 : i64, scratch_operands = 21 : i64, tpu.core_type = #tpu.core_type<sc_vector_subcore>, window_params = [{transform_indices = #map}, {transform_indices = #map}, {transform_indices = #map}, {transform_indices = #map}, {transform_indices = #map}, {transform_indices = #map}, {transform_indices = #map}, {transform_indices = #map}, {transform_indices = #map}, {transform_indices = #map}, {transform_indices = #map}, {transform_indices = #map}, {transform_indices = #map}]} {
    %mul3A = arith.constant 2 : i32
    %mul3A_0 = arith.muli %arg1, %mul3A : i32
    %add3A = arith.addi %mul3A_0, %arg0 : i32
    %mul3A_1 = arith.constant 384 : i32
    %mul3A_2 = arith.muli %add3A, %mul3A_1 : i32
    "tpu.region"() ({
      %run_scoped3A = tpu.sem_alloc : memref<!tpu.dma_semaphore, #tpu.memory_space<semaphore_mem>>
      %dma_start3A_149 = arith.constant 0 : i32
      %dma_start3A_150 = tpu.memref_slice %arg2[%add3A, %dma_start3A_149] : memref<32x6528xi32, #tpu.memory_space<hbm>> -> memref<1x6528xi32, #tpu.memory_space<hbm>>
      %dma_start3A_151 = tpu.memref_squeeze %dma_start3A_150 : memref<1x6528xi32, #tpu.memory_space<hbm>> -> memref<6528xi32, #tpu.memory_space<hbm>>
      %dma_start3A_152 = arith.constant 0 : i32
      %dma_start3A_153 = tpu.memref_slice %arg2[%add3A, %dma_start3A_152] : memref<32x6528xi32, #tpu.memory_space<hbm>> -> memref<1x6528xi32, #tpu.memory_space<hbm>>
      %dma_start3A_154 = tpu.memref_squeeze %dma_start3A_153 : memref<1x6528xi32, #tpu.memory_space<hbm>> -> memref<6528xi32, #tpu.memory_space<hbm>>
      tpu.enqueue_dma source(%dma_start3A_154 : memref<6528xi32, #tpu.memory_space<hbm>>) target(%arg15 : memref<6528xi32, #tpu.memory_space<vmem>>) target_semaphore(%run_scoped3A : memref<!tpu.dma_semaphore, #tpu.memory_space<semaphore_mem>>)
      %dma_wait3A_155 = arith.constant 0 : i32
      %dma_wait3A_156 = tpu.memref_slice %arg2[%add3A, %dma_wait3A_155] : memref<32x6528xi32, #tpu.memory_space<hbm>> -> memref<1x6528xi32, #tpu.memory_space<hbm>>
      %dma_wait3A_157 = tpu.memref_squeeze %dma_wait3A_156 : memref<1x6528xi32, #tpu.memory_space<hbm>> -> memref<6528xi32, #tpu.memory_space<hbm>>
      %dma_wait3A_158 = arith.constant 0 : i32
      %dma_wait3A_159 = tpu.memref_slice %arg2[%add3A, %dma_wait3A_158] : memref<32x6528xi32, #tpu.memory_space<hbm>> -> memref<1x6528xi32, #tpu.memory_space<hbm>>
      %dma_wait3A_160 = tpu.memref_squeeze %dma_wait3A_159 : memref<1x6528xi32, #tpu.memory_space<hbm>> -> memref<6528xi32, #tpu.memory_space<hbm>>
      tpu.wait_dma2 semaphore(%run_scoped3A : memref<!tpu.dma_semaphore, #tpu.memory_space<semaphore_mem>>) src(%dma_wait3A_160 : memref<6528xi32, #tpu.memory_space<hbm>>) dst(%arg15 : memref<6528xi32, #tpu.memory_space<vmem>>)
      tpu.yield
    }) : () -> ()
    %multiple_of3A = arith.constant 0 : i32
    %multiple_of3A_3 = tpu.assume_multiple %multiple_of3A, 8 : i32
    %dma_start3A = tpu.memref_slice %arg15[%multiple_of3A_3] : memref<6528xi32, #tpu.memory_space<vmem>> -> memref<16xi32, #tpu.memory_space<vmem>>
    %dma_start3A_4 = arith.constant 0 : i32
    %dma_start3A_5 = arith.constant 0 : i32
    %dma_start3A_6 = tpu.memref_slice %arg3[%dma_start3A_4, %dma_start3A_5] : memref<1331x384xf32, #tpu.memory_space<hbm>> -> memref<1331x384xf32, #tpu.memory_space<hbm>>
    tpu.enqueue_indirect_dma source(%dma_start3A_6 : memref<1331x384xf32, #tpu.memory_space<hbm>>) target(%arg16 : memref<16x384xf32, #tpu.memory_space<vmem>>) offsets(%dma_start3A : memref<16xi32, #tpu.memory_space<vmem>>) semaphore(%arg32 : memref<!tpu.dma_semaphore, #tpu.memory_space<semaphore_mem>>)
    %multiple_of3A_7 = arith.constant 384 : i32
    %multiple_of3A_8 = tpu.assume_multiple %multiple_of3A_7, 8 : i32
    %dma_start3A_9 = tpu.memref_slice %arg15[%multiple_of3A_8] : memref<6528xi32, #tpu.memory_space<vmem>> -> memref<48xi32, #tpu.memory_space<vmem>>
    %dma_start3A_10 = arith.constant 0 : i32
    %dma_start3A_11 = arith.constant 0 : i32
    %dma_start3A_12 = tpu.memref_slice %arg4[%dma_start3A_10, %dma_start3A_11] : memref<313x128xf32, #tpu.memory_space<hbm>> -> memref<313x128xf32, #tpu.memory_space<hbm>>
    tpu.enqueue_indirect_dma source(%dma_start3A_12 : memref<313x128xf32, #tpu.memory_space<hbm>>) target(%arg17 : memref<48x128xf32, #tpu.memory_space<vmem>>) offsets(%dma_start3A_9 : memref<48xi32, #tpu.memory_space<vmem>>) semaphore(%arg32 : memref<!tpu.dma_semaphore, #tpu.memory_space<semaphore_mem>>)
    %multiple_of3A_13 = arith.constant 1536 : i32
    %multiple_of3A_14 = tpu.assume_multiple %multiple_of3A_13, 8 : i32
    %dma_start3A_15 = tpu.memref_slice %arg15[%multiple_of3A_14] : memref<6528xi32, #tpu.memory_space<vmem>> -> memref<32xi32, #tpu.memory_space<vmem>>
    %dma_start3A_16 = arith.constant 0 : i32
    %dma_start3A_17 = arith.constant 0 : i32
    %dma_start3A_18 = tpu.memref_slice %arg5[%dma_start3A_16, %dma_start3A_17] : memref<250x128xf32, #tpu.memory_space<hbm>> -> memref<250x128xf32, #tpu.memory_space<hbm>>
    tpu.enqueue_indirect_dma source(%dma_start3A_18 : memref<250x128xf32, #tpu.memory_space<hbm>>) target(%arg18 : memref<32x128xf32, #tpu.memory_space<vmem>>) offsets(%dma_start3A_15 : memref<32xi32, #tpu.memory_space<vmem>>) semaphore(%arg32 : memref<!tpu.dma_semaphore, #tpu.memory_space<semaphore_mem>>)
    %multiple_of3A_19 = arith.constant 2304 : i32
    %multiple_of3A_20 = tpu.assume_multiple %multiple_of3A_19, 8 : i32
    %dma_start3A_21 = tpu.memref_slice %arg15[%multiple_of3A_20] : memref<6528xi32, #tpu.memory_space<vmem>> -> memref<64xi32, #tpu.memory_space<vmem>>
    %dma_start3A_22 = arith.constant 0 : i32
    %dma_start3A_23 = arith.constant 0 : i32
    %dma_start3A_24 = tpu.memref_slice %arg6[%dma_start3A_22, %dma_start3A_23] : memref<687x256xf32, #tpu.memory_space<hbm>> -> memref<687x256xf32, #tpu.memory_space<hbm>>
    tpu.enqueue_indirect_dma source(%dma_start3A_24 : memref<687x256xf32, #tpu.memory_space<hbm>>) target(%arg19 : memref<64x256xf32, #tpu.memory_space<vmem>>) offsets(%dma_start3A_21 : memref<64xi32, #tpu.memory_space<vmem>>) semaphore(%arg32 : memref<!tpu.dma_semaphore, #tpu.memory_space<semaphore_mem>>)
    %multiple_of3A_25 = arith.constant 3840 : i32
    %multiple_of3A_26 = tpu.assume_multiple %multiple_of3A_25, 8 : i32
    %dma_start3A_27 = tpu.memref_slice %arg15[%multiple_of3A_26] : memref<6528xi32, #tpu.memory_space<vmem>> -> memref<16xi32, #tpu.memory_space<vmem>>
    %dma_start3A_28 = arith.constant 0 : i32
    %dma_start3A_29 = arith.constant 0 : i32
    %dma_start3A_30 = tpu.memref_slice %arg4[%dma_start3A_28, %dma_start3A_29] : memref<313x128xf32, #tpu.memory_space<hbm>> -> memref<313x128xf32, #tpu.memory_space<hbm>>
    tpu.enqueue_indirect_dma source(%dma_start3A_30 : memref<313x128xf32, #tpu.memory_space<hbm>>) target(%arg20 : memref<16x128xf32, #tpu.memory_space<vmem>>) offsets(%dma_start3A_27 : memref<16xi32, #tpu.memory_space<vmem>>) semaphore(%arg32 : memref<!tpu.dma_semaphore, #tpu.memory_space<semaphore_mem>>)
    %multiple_of3A_31 = arith.constant 4224 : i32
    %multiple_of3A_32 = tpu.assume_multiple %multiple_of3A_31, 8 : i32
    %dma_start3A_33 = tpu.memref_slice %arg15[%multiple_of3A_32] : memref<6528xi32, #tpu.memory_space<vmem>> -> memref<64xi32, #tpu.memory_space<vmem>>
    %dma_start3A_34 = arith.constant 0 : i32
    %dma_start3A_35 = arith.constant 0 : i32
    %dma_start3A_36 = tpu.memref_slice %arg6[%dma_start3A_34, %dma_start3A_35] : memref<687x256xf32, #tpu.memory_space<hbm>> -> memref<687x256xf32, #tpu.memory_space<hbm>>
    tpu.enqueue_indirect_dma source(%dma_start3A_36 : memref<687x256xf32, #tpu.memory_space<hbm>>) target(%arg21 : memref<64x256xf32, #tpu.memory_space<vmem>>) offsets(%dma_start3A_33 : memref<64xi32, #tpu.memory_space<vmem>>) semaphore(%arg32 : memref<!tpu.dma_semaphore, #tpu.memory_space<semaphore_mem>>)
    %multiple_of3A_37 = arith.constant 5760 : i32
    %multiple_of3A_38 = tpu.assume_multiple %multiple_of3A_37, 8 : i32
    %dma_start3A_39 = tpu.memref_slice %arg15[%multiple_of3A_38] : memref<6528xi32, #tpu.memory_space<vmem>> -> memref<16xi32, #tpu.memory_space<vmem>>
    %dma_start3A_40 = arith.constant 0 : i32
    %dma_start3A_41 = arith.constant 0 : i32
    %dma_start3A_42 = tpu.memref_slice %arg5[%dma_start3A_40, %dma_start3A_41] : memref<250x128xf32, #tpu.memory_space<hbm>> -> memref<250x128xf32, #tpu.memory_space<hbm>>
    tpu.enqueue_indirect_dma source(%dma_start3A_42 : memref<250x128xf32, #tpu.memory_space<hbm>>) target(%arg22 : memref<16x128xf32, #tpu.memory_space<vmem>>) offsets(%dma_start3A_39 : memref<16xi32, #tpu.memory_space<vmem>>) semaphore(%arg32 : memref<!tpu.dma_semaphore, #tpu.memory_space<semaphore_mem>>)
    %multiple_of3A_43 = arith.constant 6144 : i32
    %multiple_of3A_44 = tpu.assume_multiple %multiple_of3A_43, 8 : i32
    %dma_start3A_45 = tpu.memref_slice %arg15[%multiple_of3A_44] : memref<6528xi32, #tpu.memory_space<vmem>> -> memref<16xi32, #tpu.memory_space<vmem>>
    %dma_start3A_46 = arith.constant 0 : i32
    %dma_start3A_47 = arith.constant 0 : i32
    %dma_start3A_48 = tpu.memref_slice %arg6[%dma_start3A_46, %dma_start3A_47] : memref<687x256xf32, #tpu.memory_space<hbm>> -> memref<687x256xf32, #tpu.memory_space<hbm>>
    tpu.enqueue_indirect_dma source(%dma_start3A_48 : memref<687x256xf32, #tpu.memory_space<hbm>>) target(%arg23 : memref<16x256xf32, #tpu.memory_space<vmem>>) offsets(%dma_start3A_45 : memref<16xi32, #tpu.memory_space<vmem>>) semaphore(%arg32 : memref<!tpu.dma_semaphore, #tpu.memory_space<semaphore_mem>>)
    %scan3A = arith.constant 0 : i32
    %scan3A_49 = arith.constant 0 : i32
    %scan3A_50 = arith.constant 12 : i32
    %scan3A_51 = arith.addi %scan3A_49, %scan3A_50 : i32
    %scan3A_52 = arith.constant 1 : i32
    scf.for %scan3A_149 = %scan3A_49 to %scan3A_51 step %scan3A_52  : i32 {
      %mul3A_150 = arith.constant 2 : i32
      %mul3A_151 = arith.muli %mul3A_150, %scan3A_149 : i32
      %add3A_152 = arith.constant 0 : i32
      %add3A_153 = arith.addi %mul3A_151, %add3A_152 : i32
      %dma_wait3A_154 = arith.constant 0 : i32
      %dma_wait3A_155 = arith.constant 0 : i32
      %dma_wait3A_156 = tpu.memref_slice %arg3[%dma_wait3A_154, %dma_wait3A_155] : memref<1331x384xf32, #tpu.memory_space<hbm>> -> memref<16x384xf32, #tpu.memory_space<hbm>>
      %dma_wait3A_157 = arith.constant 0 : i32
      %dma_wait3A_158 = arith.constant 0 : i32
      %dma_wait3A_159 = tpu.memref_slice %arg3[%dma_wait3A_157, %dma_wait3A_158] : memref<1331x384xf32, #tpu.memory_space<hbm>> -> memref<16x384xf32, #tpu.memory_space<hbm>>
      tpu.wait_dma2 semaphore(%arg32 : memref<!tpu.dma_semaphore, #tpu.memory_space<semaphore_mem>>) src(%dma_wait3A_159 : memref<16x384xf32, #tpu.memory_space<hbm>>) dst(%arg16 : memref<16x384xf32, #tpu.memory_space<vmem>>)
      %dma_wait3A_160 = arith.constant 0 : i32
      %dma_wait3A_161 = arith.constant 0 : i32
      %dma_wait3A_162 = tpu.memref_slice %arg4[%dma_wait3A_160, %dma_wait3A_161] : memref<313x128xf32, #tpu.memory_space<hbm>> -> memref<48x128xf32, #tpu.memory_space<hbm>>
      %dma_wait3A_163 = arith.constant 0 : i32
      %dma_wait3A_164 = arith.constant 0 : i32
      %dma_wait3A_165 = tpu.memref_slice %arg4[%dma_wait3A_163, %dma_wait3A_164] : memref<313x128xf32, #tpu.memory_space<hbm>> -> memref<48x128xf32, #tpu.memory_space<hbm>>
      tpu.wait_dma2 semaphore(%arg32 : memref<!tpu.dma_semaphore, #tpu.memory_space<semaphore_mem>>) src(%dma_wait3A_165 : memref<48x128xf32, #tpu.memory_space<hbm>>) dst(%arg17 : memref<48x128xf32, #tpu.memory_space<vmem>>)
      %dma_wait3A_166 = arith.constant 0 : i32
      %dma_wait3A_167 = arith.constant 0 : i32
      %dma_wait3A_168 = tpu.memref_slice %arg5[%dma_wait3A_166, %dma_wait3A_167] : memref<250x128xf32, #tpu.memory_space<hbm>> -> memref<32x128xf32, #tpu.memory_space<hbm>>
      %dma_wait3A_169 = arith.constant 0 : i32
      %dma_wait3A_170 = arith.constant 0 : i32
      %dma_wait3A_171 = tpu.memref_slice %arg5[%dma_wait3A_169, %dma_wait3A_170] : memref<250x128xf32, #tpu.memory_space<hbm>> -> memref<32x128xf32, #tpu.memory_space<hbm>>
      tpu.wait_dma2 semaphore(%arg32 : memref<!tpu.dma_semaphore, #tpu.memory_space<semaphore_mem>>) src(%dma_wait3A_171 : memref<32x128xf32, #tpu.memory_space<hbm>>) dst(%arg18 : memref<32x128xf32, #tpu.memory_space<vmem>>)
      %dma_wait3A_172 = arith.constant 0 : i32
      %dma_wait3A_173 = arith.constant 0 : i32
      %dma_wait3A_174 = tpu.memref_slice %arg6[%dma_wait3A_172, %dma_wait3A_173] : memref<687x256xf32, #tpu.memory_space<hbm>> -> memref<64x256xf32, #tpu.memory_space<hbm>>
      %dma_wait3A_175 = arith.constant 0 : i32
      %dma_wait3A_176 = arith.constant 0 : i32
      %dma_wait3A_177 = tpu.memref_slice %arg6[%dma_wait3A_175, %dma_wait3A_176] : memref<687x256xf32, #tpu.memory_space<hbm>> -> memref<64x256xf32, #tpu.memory_space<hbm>>
      tpu.wait_dma2 semaphore(%arg32 : memref<!tpu.dma_semaphore, #tpu.memory_space<semaphore_mem>>) src(%dma_wait3A_177 : memref<64x256xf32, #tpu.memory_space<hbm>>) dst(%arg19 : memref<64x256xf32, #tpu.memory_space<vmem>>)
      %dma_wait3A_178 = arith.constant 0 : i32
      %dma_wait3A_179 = arith.constant 0 : i32
      %dma_wait3A_180 = tpu.memref_slice %arg4[%dma_wait3A_178, %dma_wait3A_179] : memref<313x128xf32, #tpu.memory_space<hbm>> -> memref<16x128xf32, #tpu.memory_space<hbm>>
      %dma_wait3A_181 = arith.constant 0 : i32
      %dma_wait3A_182 = arith.constant 0 : i32
      %dma_wait3A_183 = tpu.memref_slice %arg4[%dma_wait3A_181, %dma_wait3A_182] : memref<313x128xf32, #tpu.memory_space<hbm>> -> memref<16x128xf32, #tpu.memory_space<hbm>>
      tpu.wait_dma2 semaphore(%arg32 : memref<!tpu.dma_semaphore, #tpu.memory_space<semaphore_mem>>) src(%dma_wait3A_183 : memref<16x128xf32, #tpu.memory_space<hbm>>) dst(%arg20 : memref<16x128xf32, #tpu.memory_space<vmem>>)
      %dma_wait3A_184 = arith.constant 0 : i32
      %dma_wait3A_185 = arith.constant 0 : i32
      %dma_wait3A_186 = tpu.memref_slice %arg6[%dma_wait3A_184, %dma_wait3A_185] : memref<687x256xf32, #tpu.memory_space<hbm>> -> memref<64x256xf32, #tpu.memory_space<hbm>>
      %dma_wait3A_187 = arith.constant 0 : i32
      %dma_wait3A_188 = arith.constant 0 : i32
      %dma_wait3A_189 = tpu.memref_slice %arg6[%dma_wait3A_187, %dma_wait3A_188] : memref<687x256xf32, #tpu.memory_space<hbm>> -> memref<64x256xf32, #tpu.memory_space<hbm>>
      tpu.wait_dma2 semaphore(%arg32 : memref<!tpu.dma_semaphore, #tpu.memory_space<semaphore_mem>>) src(%dma_wait3A_189 : memref<64x256xf32, #tpu.memory_space<hbm>>) dst(%arg21 : memref<64x256xf32, #tpu.memory_space<vmem>>)
      %dma_wait3A_190 = arith.constant 0 : i32
      %dma_wait3A_191 = arith.constant 0 : i32
      %dma_wait3A_192 = tpu.memref_slice %arg5[%dma_wait3A_190, %dma_wait3A_191] : memref<250x128xf32, #tpu.memory_space<hbm>> -> memref<16x128xf32, #tpu.memory_space<hbm>>
      %dma_wait3A_193 = arith.constant 0 : i32
      %dma_wait3A_194 = arith.constant 0 : i32
      %dma_wait3A_195 = tpu.memref_slice %arg5[%dma_wait3A_193, %dma_wait3A_194] : memref<250x128xf32, #tpu.memory_space<hbm>> -> memref<16x128xf32, #tpu.memory_space<hbm>>
      tpu.wait_dma2 semaphore(%arg32 : memref<!tpu.dma_semaphore, #tpu.memory_space<semaphore_mem>>) src(%dma_wait3A_195 : memref<16x128xf32, #tpu.memory_space<hbm>>) dst(%arg22 : memref<16x128xf32, #tpu.memory_space<vmem>>)
      %dma_wait3A_196 = arith.constant 0 : i32
      %dma_wait3A_197 = arith.constant 0 : i32
      %dma_wait3A_198 = tpu.memref_slice %arg6[%dma_wait3A_196, %dma_wait3A_197] : memref<687x256xf32, #tpu.memory_space<hbm>> -> memref<16x256xf32, #tpu.memory_space<hbm>>
      %dma_wait3A_199 = arith.constant 0 : i32
      %dma_wait3A_200 = arith.constant 0 : i32
      %dma_wait3A_201 = tpu.memref_slice %arg6[%dma_wait3A_199, %dma_wait3A_200] : memref<687x256xf32, #tpu.memory_space<hbm>> -> memref<16x256xf32, #tpu.memory_space<hbm>>
      tpu.wait_dma2 semaphore(%arg32 : memref<!tpu.dma_semaphore, #tpu.memory_space<semaphore_mem>>) src(%dma_wait3A_201 : memref<16x256xf32, #tpu.memory_space<hbm>>) dst(%arg23 : memref<16x256xf32, #tpu.memory_space<vmem>>)
      %mul3A_202 = arith.constant 16 : i32
      %mul3A_203 = arith.muli %add3A_153, %mul3A_202 : i32
      %add3A_204 = arith.addi %mul3A_2, %mul3A_203 : i32
      %mul3A_205 = arith.constant 1 : i32
      %mul3A_206 = arith.muli %mul3A_205, %add3A_204 : i32
      %multiple_of3A_207 = tpu.assume_multiple %mul3A_206, 8 : i32
      %dma_start3A_208 = arith.constant 0 : i32
      %dma_start3A_209 = tpu.memref_slice %arg7[%multiple_of3A_207, %dma_start3A_208] : memref<12288x384xf32, #tpu.memory_space<hbm>> -> memref<16x384xf32, #tpu.memory_space<hbm>>
      %dma_start3A_210 = arith.constant 0 : i32
      %dma_start3A_211 = tpu.memref_slice %arg7[%multiple_of3A_207, %dma_start3A_210] : memref<12288x384xf32, #tpu.memory_space<hbm>> -> memref<16x384xf32, #tpu.memory_space<hbm>>
      tpu.enqueue_dma source(%arg16 : memref<16x384xf32, #tpu.memory_space<vmem>>) target(%dma_start3A_211 : memref<16x384xf32, #tpu.memory_space<hbm>>) target_semaphore(%arg34 : memref<!tpu.dma_semaphore, #tpu.memory_space<semaphore_mem>>)
      %mul3A_212 = arith.constant 3 : i32
      %mul3A_213 = arith.muli %mul3A_212, %add3A_204 : i32
      %multiple_of3A_214 = tpu.assume_multiple %mul3A_213, 8 : i32
      %dma_start3A_215 = arith.constant 0 : i32
      %dma_start3A_216 = tpu.memref_slice %arg8[%multiple_of3A_214, %dma_start3A_215] : memref<36864x128xf32, #tpu.memory_space<hbm>> -> memref<48x128xf32, #tpu.memory_space<hbm>>
      %dma_start3A_217 = arith.constant 0 : i32
      %dma_start3A_218 = tpu.memref_slice %arg8[%multiple_of3A_214, %dma_start3A_217] : memref<36864x128xf32, #tpu.memory_space<hbm>> -> memref<48x128xf32, #tpu.memory_space<hbm>>
      tpu.enqueue_dma source(%arg17 : memref<48x128xf32, #tpu.memory_space<vmem>>) target(%dma_start3A_218 : memref<48x128xf32, #tpu.memory_space<hbm>>) target_semaphore(%arg34 : memref<!tpu.dma_semaphore, #tpu.memory_space<semaphore_mem>>)
      %mul3A_219 = arith.constant 2 : i32
      %mul3A_220 = arith.muli %mul3A_219, %add3A_204 : i32
      %multiple_of3A_221 = tpu.assume_multiple %mul3A_220, 8 : i32
      %dma_start3A_222 = arith.constant 0 : i32
      %dma_start3A_223 = tpu.memref_slice %arg9[%multiple_of3A_221, %dma_start3A_222] : memref<24576x128xf32, #tpu.memory_space<hbm>> -> memref<32x128xf32, #tpu.memory_space<hbm>>
      %dma_start3A_224 = arith.constant 0 : i32
      %dma_start3A_225 = tpu.memref_slice %arg9[%multiple_of3A_221, %dma_start3A_224] : memref<24576x128xf32, #tpu.memory_space<hbm>> -> memref<32x128xf32, #tpu.memory_space<hbm>>
      tpu.enqueue_dma source(%arg18 : memref<32x128xf32, #tpu.memory_space<vmem>>) target(%dma_start3A_225 : memref<32x128xf32, #tpu.memory_space<hbm>>) target_semaphore(%arg34 : memref<!tpu.dma_semaphore, #tpu.memory_space<semaphore_mem>>)
      %mul3A_226 = arith.constant 4 : i32
      %mul3A_227 = arith.muli %mul3A_226, %add3A_204 : i32
      %multiple_of3A_228 = tpu.assume_multiple %mul3A_227, 8 : i32
      %dma_start3A_229 = arith.constant 0 : i32
      %dma_start3A_230 = tpu.memref_slice %arg10[%multiple_of3A_228, %dma_start3A_229] : memref<49152x256xf32, #tpu.memory_space<hbm>> -> memref<64x256xf32, #tpu.memory_space<hbm>>
      %dma_start3A_231 = arith.constant 0 : i32
      %dma_start3A_232 = tpu.memref_slice %arg10[%multiple_of3A_228, %dma_start3A_231] : memref<49152x256xf32, #tpu.memory_space<hbm>> -> memref<64x256xf32, #tpu.memory_space<hbm>>
      tpu.enqueue_dma source(%arg19 : memref<64x256xf32, #tpu.memory_space<vmem>>) target(%dma_start3A_232 : memref<64x256xf32, #tpu.memory_space<hbm>>) target_semaphore(%arg34 : memref<!tpu.dma_semaphore, #tpu.memory_space<semaphore_mem>>)
      %mul3A_233 = arith.constant 1 : i32
      %mul3A_234 = arith.muli %mul3A_233, %add3A_204 : i32
      %multiple_of3A_235 = tpu.assume_multiple %mul3A_234, 8 : i32
      %dma_start3A_236 = arith.constant 0 : i32
      %dma_start3A_237 = tpu.memref_slice %arg11[%multiple_of3A_235, %dma_start3A_236] : memref<12288x128xf32, #tpu.memory_space<hbm>> -> memref<16x128xf32, #tpu.memory_space<hbm>>
      %dma_start3A_238 = arith.constant 0 : i32
      %dma_start3A_239 = tpu.memref_slice %arg11[%multiple_of3A_235, %dma_start3A_238] : memref<12288x128xf32, #tpu.memory_space<hbm>> -> memref<16x128xf32, #tpu.memory_space<hbm>>
      tpu.enqueue_dma source(%arg20 : memref<16x128xf32, #tpu.memory_space<vmem>>) target(%dma_start3A_239 : memref<16x128xf32, #tpu.memory_space<hbm>>) target_semaphore(%arg34 : memref<!tpu.dma_semaphore, #tpu.memory_space<semaphore_mem>>)
      %mul3A_240 = arith.constant 4 : i32
      %mul3A_241 = arith.muli %mul3A_240, %add3A_204 : i32
      %multiple_of3A_242 = tpu.assume_multiple %mul3A_241, 8 : i32
      %dma_start3A_243 = arith.constant 0 : i32
      %dma_start3A_244 = tpu.memref_slice %arg12[%multiple_of3A_242, %dma_start3A_243] : memref<49152x256xf32, #tpu.memory_space<hbm>> -> memref<64x256xf32, #tpu.memory_space<hbm>>
      %dma_start3A_245 = arith.constant 0 : i32
      %dma_start3A_246 = tpu.memref_slice %arg12[%multiple_of3A_242, %dma_start3A_245] : memref<49152x256xf32, #tpu.memory_space<hbm>> -> memref<64x256xf32, #tpu.memory_space<hbm>>
      tpu.enqueue_dma source(%arg21 : memref<64x256xf32, #tpu.memory_space<vmem>>) target(%dma_start3A_246 : memref<64x256xf32, #tpu.memory_space<hbm>>) target_semaphore(%arg34 : memref<!tpu.dma_semaphore, #tpu.memory_space<semaphore_mem>>)
      %mul3A_247 = arith.constant 1 : i32
      %mul3A_248 = arith.muli %mul3A_247, %add3A_204 : i32
      %multiple_of3A_249 = tpu.assume_multiple %mul3A_248, 8 : i32
      %dma_start3A_250 = arith.constant 0 : i32
      %dma_start3A_251 = tpu.memref_slice %arg13[%multiple_of3A_249, %dma_start3A_250] : memref<12288x128xf32, #tpu.memory_space<hbm>> -> memref<16x128xf32, #tpu.memory_space<hbm>>
      %dma_start3A_252 = arith.constant 0 : i32
      %dma_start3A_253 = tpu.memref_slice %arg13[%multiple_of3A_249, %dma_start3A_252] : memref<12288x128xf32, #tpu.memory_space<hbm>> -> memref<16x128xf32, #tpu.memory_space<hbm>>
      tpu.enqueue_dma source(%arg22 : memref<16x128xf32, #tpu.memory_space<vmem>>) target(%dma_start3A_253 : memref<16x128xf32, #tpu.memory_space<hbm>>) target_semaphore(%arg34 : memref<!tpu.dma_semaphore, #tpu.memory_space<semaphore_mem>>)
      %mul3A_254 = arith.constant 1 : i32
      %mul3A_255 = arith.muli %mul3A_254, %add3A_204 : i32
      %multiple_of3A_256 = tpu.assume_multiple %mul3A_255, 8 : i32
      %dma_start3A_257 = arith.constant 0 : i32
      %dma_start3A_258 = tpu.memref_slice %arg14[%multiple_of3A_256, %dma_start3A_257] : memref<12288x256xf32, #tpu.memory_space<hbm>> -> memref<16x256xf32, #tpu.memory_space<hbm>>
      %dma_start3A_259 = arith.constant 0 : i32
      %dma_start3A_260 = tpu.memref_slice %arg14[%multiple_of3A_256, %dma_start3A_259] : memref<12288x256xf32, #tpu.memory_space<hbm>> -> memref<16x256xf32, #tpu.memory_space<hbm>>
      tpu.enqueue_dma source(%arg23 : memref<16x256xf32, #tpu.memory_space<vmem>>) target(%dma_start3A_260 : memref<16x256xf32, #tpu.memory_space<hbm>>) target_semaphore(%arg34 : memref<!tpu.dma_semaphore, #tpu.memory_space<semaphore_mem>>)
      %add3A_261 = arith.constant 1 : i32
      %add3A_262 = arith.addi %add3A_153, %add3A_261 : i32
      %lt3A = arith.constant 24 : i32
      %lt3A_263 = arith.cmpi slt, %add3A_262, %lt3A : i32
      %convert_element_type3A = arith.extui %lt3A_263 : i1 to i32
      %cond3A = arith.constant 0 : i32
      %cond3A_264 = arith.cmpi ne, %convert_element_type3A, %cond3A : i32
      scf.if %cond3A_264 {
        %ge3A = arith.constant 2 : i32
        %ge3A_381 = arith.cmpi sge, %add3A_262, %ge3A : i32
        %convert_element_type3A_382 = arith.extui %ge3A_381 : i1 to i32
        %cond3A_383 = arith.constant 0 : i32
        %cond3A_384 = arith.cmpi ne, %convert_element_type3A_382, %cond3A_383 : i32
        scf.if %cond3A_384 {
          %dma_wait3A_457 = arith.constant 0 : i32
          %dma_wait3A_458 = arith.constant 0 : i32
          %dma_wait3A_459 = tpu.memref_slice %arg7[%dma_wait3A_457, %dma_wait3A_458] : memref<12288x384xf32, #tpu.memory_space<hbm>> -> memref<16x384xf32, #tpu.memory_space<hbm>>
          %dma_wait3A_460 = arith.constant 0 : i32
          %dma_wait3A_461 = arith.constant 0 : i32
          %dma_wait3A_462 = tpu.memref_slice %arg7[%dma_wait3A_460, %dma_wait3A_461] : memref<12288x384xf32, #tpu.memory_space<hbm>> -> memref<16x384xf32, #tpu.memory_space<hbm>>
          tpu.wait_dma2 semaphore(%arg35 : memref<!tpu.dma_semaphore, #tpu.memory_space<semaphore_mem>>) src(%arg24 : memref<16x384xf32, #tpu.memory_space<vmem>>) dst(%dma_wait3A_462 : memref<16x384xf32, #tpu.memory_space<hbm>>)
          %dma_wait3A_463 = arith.constant 0 : i32
          %dma_wait3A_464 = arith.constant 0 : i32
          %dma_wait3A_465 = tpu.memref_slice %arg8[%dma_wait3A_463, %dma_wait3A_464] : memref<36864x128xf32, #tpu.memory_space<hbm>> -> memref<48x128xf32, #tpu.memory_space<hbm>>
          %dma_wait3A_466 = arith.constant 0 : i32
          %dma_wait3A_467 = arith.constant 0 : i32
          %dma_wait3A_468 = tpu.memref_slice %arg8[%dma_wait3A_466, %dma_wait3A_467] : memref<36864x128xf32, #tpu.memory_space<hbm>> -> memref<48x128xf32, #tpu.memory_space<hbm>>
          tpu.wait_dma2 semaphore(%arg35 : memref<!tpu.dma_semaphore, #tpu.memory_space<semaphore_mem>>) src(%arg25 : memref<48x128xf32, #tpu.memory_space<vmem>>) dst(%dma_wait3A_468 : memref<48x128xf32, #tpu.memory_space<hbm>>)
          %dma_wait3A_469 = arith.constant 0 : i32
          %dma_wait3A_470 = arith.constant 0 : i32
          %dma_wait3A_471 = tpu.memref_slice %arg9[%dma_wait3A_469, %dma_wait3A_470] : memref<24576x128xf32, #tpu.memory_space<hbm>> -> memref<32x128xf32, #tpu.memory_space<hbm>>
          %dma_wait3A_472 = arith.constant 0 : i32
          %dma_wait3A_473 = arith.constant 0 : i32
          %dma_wait3A_474 = tpu.memref_slice %arg9[%dma_wait3A_472, %dma_wait3A_473] : memref<24576x128xf32, #tpu.memory_space<hbm>> -> memref<32x128xf32, #tpu.memory_space<hbm>>
          tpu.wait_dma2 semaphore(%arg35 : memref<!tpu.dma_semaphore, #tpu.memory_space<semaphore_mem>>) src(%arg26 : memref<32x128xf32, #tpu.memory_space<vmem>>) dst(%dma_wait3A_474 : memref<32x128xf32, #tpu.memory_space<hbm>>)
          %dma_wait3A_475 = arith.constant 0 : i32
          %dma_wait3A_476 = arith.constant 0 : i32
          %dma_wait3A_477 = tpu.memref_slice %arg10[%dma_wait3A_475, %dma_wait3A_476] : memref<49152x256xf32, #tpu.memory_space<hbm>> -> memref<64x256xf32, #tpu.memory_space<hbm>>
          %dma_wait3A_478 = arith.constant 0 : i32
          %dma_wait3A_479 = arith.constant 0 : i32
          %dma_wait3A_480 = tpu.memref_slice %arg10[%dma_wait3A_478, %dma_wait3A_479] : memref<49152x256xf32, #tpu.memory_space<hbm>> -> memref<64x256xf32, #tpu.memory_space<hbm>>
          tpu.wait_dma2 semaphore(%arg35 : memref<!tpu.dma_semaphore, #tpu.memory_space<semaphore_mem>>) src(%arg27 : memref<64x256xf32, #tpu.memory_space<vmem>>) dst(%dma_wait3A_480 : memref<64x256xf32, #tpu.memory_space<hbm>>)
          %dma_wait3A_481 = arith.constant 0 : i32
          %dma_wait3A_482 = arith.constant 0 : i32
          %dma_wait3A_483 = tpu.memref_slice %arg11[%dma_wait3A_481, %dma_wait3A_482] : memref<12288x128xf32, #tpu.memory_space<hbm>> -> memref<16x128xf32, #tpu.memory_space<hbm>>
          %dma_wait3A_484 = arith.constant 0 : i32
          %dma_wait3A_485 = arith.constant 0 : i32
          %dma_wait3A_486 = tpu.memref_slice %arg11[%dma_wait3A_484, %dma_wait3A_485] : memref<12288x128xf32, #tpu.memory_space<hbm>> -> memref<16x128xf32, #tpu.memory_space<hbm>>
          tpu.wait_dma2 semaphore(%arg35 : memref<!tpu.dma_semaphore, #tpu.memory_space<semaphore_mem>>) src(%arg28 : memref<16x128xf32, #tpu.memory_space<vmem>>) dst(%dma_wait3A_486 : memref<16x128xf32, #tpu.memory_space<hbm>>)
          %dma_wait3A_487 = arith.constant 0 : i32
          %dma_wait3A_488 = arith.constant 0 : i32
          %dma_wait3A_489 = tpu.memref_slice %arg12[%dma_wait3A_487, %dma_wait3A_488] : memref<49152x256xf32, #tpu.memory_space<hbm>> -> memref<64x256xf32, #tpu.memory_space<hbm>>
          %dma_wait3A_490 = arith.constant 0 : i32
          %dma_wait3A_491 = arith.constant 0 : i32
          %dma_wait3A_492 = tpu.memref_slice %arg12[%dma_wait3A_490, %dma_wait3A_491] : memref<49152x256xf32, #tpu.memory_space<hbm>> -> memref<64x256xf32, #tpu.memory_space<hbm>>
          tpu.wait_dma2 semaphore(%arg35 : memref<!tpu.dma_semaphore, #tpu.memory_space<semaphore_mem>>) src(%arg29 : memref<64x256xf32, #tpu.memory_space<vmem>>) dst(%dma_wait3A_492 : memref<64x256xf32, #tpu.memory_space<hbm>>)
          %dma_wait3A_493 = arith.constant 0 : i32
          %dma_wait3A_494 = arith.constant 0 : i32
          %dma_wait3A_495 = tpu.memref_slice %arg13[%dma_wait3A_493, %dma_wait3A_494] : memref<12288x128xf32, #tpu.memory_space<hbm>> -> memref<16x128xf32, #tpu.memory_space<hbm>>
          %dma_wait3A_496 = arith.constant 0 : i32
          %dma_wait3A_497 = arith.constant 0 : i32
          %dma_wait3A_498 = tpu.memref_slice %arg13[%dma_wait3A_496, %dma_wait3A_497] : memref<12288x128xf32, #tpu.memory_space<hbm>> -> memref<16x128xf32, #tpu.memory_space<hbm>>
          tpu.wait_dma2 semaphore(%arg35 : memref<!tpu.dma_semaphore, #tpu.memory_space<semaphore_mem>>) src(%arg30 : memref<16x128xf32, #tpu.memory_space<vmem>>) dst(%dma_wait3A_498 : memref<16x128xf32, #tpu.memory_space<hbm>>)
          %dma_wait3A_499 = arith.constant 0 : i32
          %dma_wait3A_500 = arith.constant 0 : i32
          %dma_wait3A_501 = tpu.memref_slice %arg14[%dma_wait3A_499, %dma_wait3A_500] : memref<12288x256xf32, #tpu.memory_space<hbm>> -> memref<16x256xf32, #tpu.memory_space<hbm>>
          %dma_wait3A_502 = arith.constant 0 : i32
          %dma_wait3A_503 = arith.constant 0 : i32
          %dma_wait3A_504 = tpu.memref_slice %arg14[%dma_wait3A_502, %dma_wait3A_503] : memref<12288x256xf32, #tpu.memory_space<hbm>> -> memref<16x256xf32, #tpu.memory_space<hbm>>
          tpu.wait_dma2 semaphore(%arg35 : memref<!tpu.dma_semaphore, #tpu.memory_space<semaphore_mem>>) src(%arg31 : memref<16x256xf32, #tpu.memory_space<vmem>>) dst(%dma_wait3A_504 : memref<16x256xf32, #tpu.memory_space<hbm>>)
        } else {
        }
        %mul3A_385 = arith.constant 16 : i32
        %mul3A_386 = arith.muli %add3A_262, %mul3A_385 : i32
        %add3A_387 = arith.constant 0 : i32
        %add3A_388 = arith.addi %add3A_387, %mul3A_386 : i32
        %multiple_of3A_389 = tpu.assume_multiple %add3A_388, 8 : i32
        %dma_start3A_390 = tpu.memref_slice %arg15[%multiple_of3A_389] : memref<6528xi32, #tpu.memory_space<vmem>> -> memref<16xi32, #tpu.memory_space<vmem>>
        %dma_start3A_391 = arith.constant 0 : i32
        %dma_start3A_392 = arith.constant 0 : i32
        %dma_start3A_393 = tpu.memref_slice %arg3[%dma_start3A_391, %dma_start3A_392] : memref<1331x384xf32, #tpu.memory_space<hbm>> -> memref<1331x384xf32, #tpu.memory_space<hbm>>
        tpu.enqueue_indirect_dma source(%dma_start3A_393 : memref<1331x384xf32, #tpu.memory_space<hbm>>) target(%arg24 : memref<16x384xf32, #tpu.memory_space<vmem>>) offsets(%dma_start3A_390 : memref<16xi32, #tpu.memory_space<vmem>>) semaphore(%arg33 : memref<!tpu.dma_semaphore, #tpu.memory_space<semaphore_mem>>)
        %mul3A_394 = arith.constant 48 : i32
        %mul3A_395 = arith.muli %add3A_262, %mul3A_394 : i32
        %add3A_396 = arith.constant 384 : i32
        %add3A_397 = arith.addi %add3A_396, %mul3A_395 : i32
        %multiple_of3A_398 = tpu.assume_multiple %add3A_397, 8 : i32
        %dma_start3A_399 = tpu.memref_slice %arg15[%multiple_of3A_398] : memref<6528xi32, #tpu.memory_space<vmem>> -> memref<48xi32, #tpu.memory_space<vmem>>
        %dma_start3A_400 = arith.constant 0 : i32
        %dma_start3A_401 = arith.constant 0 : i32
        %dma_start3A_402 = tpu.memref_slice %arg4[%dma_start3A_400, %dma_start3A_401] : memref<313x128xf32, #tpu.memory_space<hbm>> -> memref<313x128xf32, #tpu.memory_space<hbm>>
        tpu.enqueue_indirect_dma source(%dma_start3A_402 : memref<313x128xf32, #tpu.memory_space<hbm>>) target(%arg25 : memref<48x128xf32, #tpu.memory_space<vmem>>) offsets(%dma_start3A_399 : memref<48xi32, #tpu.memory_space<vmem>>) semaphore(%arg33 : memref<!tpu.dma_semaphore, #tpu.memory_space<semaphore_mem>>)
        %mul3A_403 = arith.constant 32 : i32
        %mul3A_404 = arith.muli %add3A_262, %mul3A_403 : i32
        %add3A_405 = arith.constant 1536 : i32
        %add3A_406 = arith.addi %add3A_405, %mul3A_404 : i32
        %multiple_of3A_407 = tpu.assume_multiple %add3A_406, 8 : i32
        %dma_start3A_408 = tpu.memref_slice %arg15[%multiple_of3A_407] : memref<6528xi32, #tpu.memory_space<vmem>> -> memref<32xi32, #tpu.memory_space<vmem>>
        %dma_start3A_409 = arith.constant 0 : i32
        %dma_start3A_410 = arith.constant 0 : i32
        %dma_start3A_411 = tpu.memref_slice %arg5[%dma_start3A_409, %dma_start3A_410] : memref<250x128xf32, #tpu.memory_space<hbm>> -> memref<250x128xf32, #tpu.memory_space<hbm>>
        tpu.enqueue_indirect_dma source(%dma_start3A_411 : memref<250x128xf32, #tpu.memory_space<hbm>>) target(%arg26 : memref<32x128xf32, #tpu.memory_space<vmem>>) offsets(%dma_start3A_408 : memref<32xi32, #tpu.memory_space<vmem>>) semaphore(%arg33 : memref<!tpu.dma_semaphore, #tpu.memory_space<semaphore_mem>>)
        %mul3A_412 = arith.constant 64 : i32
        %mul3A_413 = arith.muli %add3A_262, %mul3A_412 : i32
        %add3A_414 = arith.constant 2304 : i32
        %add3A_415 = arith.addi %add3A_414, %mul3A_413 : i32
        %multiple_of3A_416 = tpu.assume_multiple %add3A_415, 8 : i32
        %dma_start3A_417 = tpu.memref_slice %arg15[%multiple_of3A_416] : memref<6528xi32, #tpu.memory_space<vmem>> -> memref<64xi32, #tpu.memory_space<vmem>>
        %dma_start3A_418 = arith.constant 0 : i32
        %dma_start3A_419 = arith.constant 0 : i32
        %dma_start3A_420 = tpu.memref_slice %arg6[%dma_start3A_418, %dma_start3A_419] : memref<687x256xf32, #tpu.memory_space<hbm>> -> memref<687x256xf32, #tpu.memory_space<hbm>>
        tpu.enqueue_indirect_dma source(%dma_start3A_420 : memref<687x256xf32, #tpu.memory_space<hbm>>) target(%arg27 : memref<64x256xf32, #tpu.memory_space<vmem>>) offsets(%dma_start3A_417 : memref<64xi32, #tpu.memory_space<vmem>>) semaphore(%arg33 : memref<!tpu.dma_semaphore, #tpu.memory_space<semaphore_mem>>)
        %mul3A_421 = arith.constant 16 : i32
        %mul3A_422 = arith.muli %add3A_262, %mul3A_421 : i32
        %add3A_423 = arith.constant 3840 : i32
        %add3A_424 = arith.addi %add3A_423, %mul3A_422 : i32
        %multiple_of3A_425 = tpu.assume_multiple %add3A_424, 8 : i32
        %dma_start3A_426 = tpu.memref_slice %arg15[%multiple_of3A_425] : memref<6528xi32, #tpu.memory_space<vmem>> -> memref<16xi32, #tpu.memory_space<vmem>>
        %dma_start3A_427 = arith.constant 0 : i32
        %dma_start3A_428 = arith.constant 0 : i32
        %dma_start3A_429 = tpu.memref_slice %arg4[%dma_start3A_427, %dma_start3A_428] : memref<313x128xf32, #tpu.memory_space<hbm>> -> memref<313x128xf32, #tpu.memory_space<hbm>>
        tpu.enqueue_indirect_dma source(%dma_start3A_429 : memref<313x128xf32, #tpu.memory_space<hbm>>) target(%arg28 : memref<16x128xf32, #tpu.memory_space<vmem>>) offsets(%dma_start3A_426 : memref<16xi32, #tpu.memory_space<vmem>>) semaphore(%arg33 : memref<!tpu.dma_semaphore, #tpu.memory_space<semaphore_mem>>)
        %mul3A_430 = arith.constant 64 : i32
        %mul3A_431 = arith.muli %add3A_262, %mul3A_430 : i32
        %add3A_432 = arith.constant 4224 : i32
        %add3A_433 = arith.addi %add3A_432, %mul3A_431 : i32
        %multiple_of3A_434 = tpu.assume_multiple %add3A_433, 8 : i32
        %dma_start3A_435 = tpu.memref_slice %arg15[%multiple_of3A_434] : memref<6528xi32, #tpu.memory_space<vmem>> -> memref<64xi32, #tpu.memory_space<vmem>>
        %dma_start3A_436 = arith.constant 0 : i32
        %dma_start3A_437 = arith.constant 0 : i32
        %dma_start3A_438 = tpu.memref_slice %arg6[%dma_start3A_436, %dma_start3A_437] : memref<687x256xf32, #tpu.memory_space<hbm>> -> memref<687x256xf32, #tpu.memory_space<hbm>>
        tpu.enqueue_indirect_dma source(%dma_start3A_438 : memref<687x256xf32, #tpu.memory_space<hbm>>) target(%arg29 : memref<64x256xf32, #tpu.memory_space<vmem>>) offsets(%dma_start3A_435 : memref<64xi32, #tpu.memory_space<vmem>>) semaphore(%arg33 : memref<!tpu.dma_semaphore, #tpu.memory_space<semaphore_mem>>)
        %mul3A_439 = arith.constant 16 : i32
        %mul3A_440 = arith.muli %add3A_262, %mul3A_439 : i32
        %add3A_441 = arith.constant 5760 : i32
        %add3A_442 = arith.addi %add3A_441, %mul3A_440 : i32
        %multiple_of3A_443 = tpu.assume_multiple %add3A_442, 8 : i32
        %dma_start3A_444 = tpu.memref_slice %arg15[%multiple_of3A_443] : memref<6528xi32, #tpu.memory_space<vmem>> -> memref<16xi32, #tpu.memory_space<vmem>>
        %dma_start3A_445 = arith.constant 0 : i32
        %dma_start3A_446 = arith.constant 0 : i32
        %dma_start3A_447 = tpu.memref_slice %arg5[%dma_start3A_445, %dma_start3A_446] : memref<250x128xf32, #tpu.memory_space<hbm>> -> memref<250x128xf32, #tpu.memory_space<hbm>>
        tpu.enqueue_indirect_dma source(%dma_start3A_447 : memref<250x128xf32, #tpu.memory_space<hbm>>) target(%arg30 : memref<16x128xf32, #tpu.memory_space<vmem>>) offsets(%dma_start3A_444 : memref<16xi32, #tpu.memory_space<vmem>>) semaphore(%arg33 : memref<!tpu.dma_semaphore, #tpu.memory_space<semaphore_mem>>)
        %mul3A_448 = arith.constant 16 : i32
        %mul3A_449 = arith.muli %add3A_262, %mul3A_448 : i32
        %add3A_450 = arith.constant 6144 : i32
        %add3A_451 = arith.addi %add3A_450, %mul3A_449 : i32
        %multiple_of3A_452 = tpu.assume_multiple %add3A_451, 8 : i32
        %dma_start3A_453 = tpu.memref_slice %arg15[%multiple_of3A_452] : memref<6528xi32, #tpu.memory_space<vmem>> -> memref<16xi32, #tpu.memory_space<vmem>>
        %dma_start3A_454 = arith.constant 0 : i32
        %dma_start3A_455 = arith.constant 0 : i32
        %dma_start3A_456 = tpu.memref_slice %arg6[%dma_start3A_454, %dma_start3A_455] : memref<687x256xf32, #tpu.memory_space<hbm>> -> memref<687x256xf32, #tpu.memory_space<hbm>>
        tpu.enqueue_indirect_dma source(%dma_start3A_456 : memref<687x256xf32, #tpu.memory_space<hbm>>) target(%arg31 : memref<16x256xf32, #tpu.memory_space<vmem>>) offsets(%dma_start3A_453 : memref<16xi32, #tpu.memory_space<vmem>>) semaphore(%arg33 : memref<!tpu.dma_semaphore, #tpu.memory_space<semaphore_mem>>)
      } else {
      }
      %add3A_265 = arith.constant 1 : i32
      %add3A_266 = arith.addi %mul3A_151, %add3A_265 : i32
      %dma_wait3A_267 = arith.constant 0 : i32
      %dma_wait3A_268 = arith.constant 0 : i32
      %dma_wait3A_269 = tpu.memref_slice %arg3[%dma_wait3A_267, %dma_wait3A_268] : memref<1331x384xf32, #tpu.memory_space<hbm>> -> memref<16x384xf32, #tpu.memory_space<hbm>>
      %dma_wait3A_270 = arith.constant 0 : i32
      %dma_wait3A_271 = arith.constant 0 : i32
      %dma_wait3A_272 = tpu.memref_slice %arg3[%dma_wait3A_270, %dma_wait3A_271] : memref<1331x384xf32, #tpu.memory_space<hbm>> -> memref<16x384xf32, #tpu.memory_space<hbm>>
      tpu.wait_dma2 semaphore(%arg33 : memref<!tpu.dma_semaphore, #tpu.memory_space<semaphore_mem>>) src(%dma_wait3A_272 : memref<16x384xf32, #tpu.memory_space<hbm>>) dst(%arg24 : memref<16x384xf32, #tpu.memory_space<vmem>>)
      %dma_wait3A_273 = arith.constant 0 : i32
      %dma_wait3A_274 = arith.constant 0 : i32
      %dma_wait3A_275 = tpu.memref_slice %arg4[%dma_wait3A_273, %dma_wait3A_274] : memref<313x128xf32, #tpu.memory_space<hbm>> -> memref<48x128xf32, #tpu.memory_space<hbm>>
      %dma_wait3A_276 = arith.constant 0 : i32
      %dma_wait3A_277 = arith.constant 0 : i32
      %dma_wait3A_278 = tpu.memref_slice %arg4[%dma_wait3A_276, %dma_wait3A_277] : memref<313x128xf32, #tpu.memory_space<hbm>> -> memref<48x128xf32, #tpu.memory_space<hbm>>
      tpu.wait_dma2 semaphore(%arg33 : memref<!tpu.dma_semaphore, #tpu.memory_space<semaphore_mem>>) src(%dma_wait3A_278 : memref<48x128xf32, #tpu.memory_space<hbm>>) dst(%arg25 : memref<48x128xf32, #tpu.memory_space<vmem>>)
      %dma_wait3A_279 = arith.constant 0 : i32
      %dma_wait3A_280 = arith.constant 0 : i32
      %dma_wait3A_281 = tpu.memref_slice %arg5[%dma_wait3A_279, %dma_wait3A_280] : memref<250x128xf32, #tpu.memory_space<hbm>> -> memref<32x128xf32, #tpu.memory_space<hbm>>
      %dma_wait3A_282 = arith.constant 0 : i32
      %dma_wait3A_283 = arith.constant 0 : i32
      %dma_wait3A_284 = tpu.memref_slice %arg5[%dma_wait3A_282, %dma_wait3A_283] : memref<250x128xf32, #tpu.memory_space<hbm>> -> memref<32x128xf32, #tpu.memory_space<hbm>>
      tpu.wait_dma2 semaphore(%arg33 : memref<!tpu.dma_semaphore, #tpu.memory_space<semaphore_mem>>) src(%dma_wait3A_284 : memref<32x128xf32, #tpu.memory_space<hbm>>) dst(%arg26 : memref<32x128xf32, #tpu.memory_space<vmem>>)
      %dma_wait3A_285 = arith.constant 0 : i32
      %dma_wait3A_286 = arith.constant 0 : i32
      %dma_wait3A_287 = tpu.memref_slice %arg6[%dma_wait3A_285, %dma_wait3A_286] : memref<687x256xf32, #tpu.memory_space<hbm>> -> memref<64x256xf32, #tpu.memory_space<hbm>>
      %dma_wait3A_288 = arith.constant 0 : i32
      %dma_wait3A_289 = arith.constant 0 : i32
      %dma_wait3A_290 = tpu.memref_slice %arg6[%dma_wait3A_288, %dma_wait3A_289] : memref<687x256xf32, #tpu.memory_space<hbm>> -> memref<64x256xf32, #tpu.memory_space<hbm>>
      tpu.wait_dma2 semaphore(%arg33 : memref<!tpu.dma_semaphore, #tpu.memory_space<semaphore_mem>>) src(%dma_wait3A_290 : memref<64x256xf32, #tpu.memory_space<hbm>>) dst(%arg27 : memref<64x256xf32, #tpu.memory_space<vmem>>)
      %dma_wait3A_291 = arith.constant 0 : i32
      %dma_wait3A_292 = arith.constant 0 : i32
      %dma_wait3A_293 = tpu.memref_slice %arg4[%dma_wait3A_291, %dma_wait3A_292] : memref<313x128xf32, #tpu.memory_space<hbm>> -> memref<16x128xf32, #tpu.memory_space<hbm>>
      %dma_wait3A_294 = arith.constant 0 : i32
      %dma_wait3A_295 = arith.constant 0 : i32
      %dma_wait3A_296 = tpu.memref_slice %arg4[%dma_wait3A_294, %dma_wait3A_295] : memref<313x128xf32, #tpu.memory_space<hbm>> -> memref<16x128xf32, #tpu.memory_space<hbm>>
      tpu.wait_dma2 semaphore(%arg33 : memref<!tpu.dma_semaphore, #tpu.memory_space<semaphore_mem>>) src(%dma_wait3A_296 : memref<16x128xf32, #tpu.memory_space<hbm>>) dst(%arg28 : memref<16x128xf32, #tpu.memory_space<vmem>>)
      %dma_wait3A_297 = arith.constant 0 : i32
      %dma_wait3A_298 = arith.constant 0 : i32
      %dma_wait3A_299 = tpu.memref_slice %arg6[%dma_wait3A_297, %dma_wait3A_298] : memref<687x256xf32, #tpu.memory_space<hbm>> -> memref<64x256xf32, #tpu.memory_space<hbm>>
      %dma_wait3A_300 = arith.constant 0 : i32
      %dma_wait3A_301 = arith.constant 0 : i32
      %dma_wait3A_302 = tpu.memref_slice %arg6[%dma_wait3A_300, %dma_wait3A_301] : memref<687x256xf32, #tpu.memory_space<hbm>> -> memref<64x256xf32, #tpu.memory_space<hbm>>
      tpu.wait_dma2 semaphore(%arg33 : memref<!tpu.dma_semaphore, #tpu.memory_space<semaphore_mem>>) src(%dma_wait3A_302 : memref<64x256xf32, #tpu.memory_space<hbm>>) dst(%arg29 : memref<64x256xf32, #tpu.memory_space<vmem>>)
      %dma_wait3A_303 = arith.constant 0 : i32
      %dma_wait3A_304 = arith.constant 0 : i32
      %dma_wait3A_305 = tpu.memref_slice %arg5[%dma_wait3A_303, %dma_wait3A_304] : memref<250x128xf32, #tpu.memory_space<hbm>> -> memref<16x128xf32, #tpu.memory_space<hbm>>
      %dma_wait3A_306 = arith.constant 0 : i32
      %dma_wait3A_307 = arith.constant 0 : i32
      %dma_wait3A_308 = tpu.memref_slice %arg5[%dma_wait3A_306, %dma_wait3A_307] : memref<250x128xf32, #tpu.memory_space<hbm>> -> memref<16x128xf32, #tpu.memory_space<hbm>>
      tpu.wait_dma2 semaphore(%arg33 : memref<!tpu.dma_semaphore, #tpu.memory_space<semaphore_mem>>) src(%dma_wait3A_308 : memref<16x128xf32, #tpu.memory_space<hbm>>) dst(%arg30 : memref<16x128xf32, #tpu.memory_space<vmem>>)
      %dma_wait3A_309 = arith.constant 0 : i32
      %dma_wait3A_310 = arith.constant 0 : i32
      %dma_wait3A_311 = tpu.memref_slice %arg6[%dma_wait3A_309, %dma_wait3A_310] : memref<687x256xf32, #tpu.memory_space<hbm>> -> memref<16x256xf32, #tpu.memory_space<hbm>>
      %dma_wait3A_312 = arith.constant 0 : i32
      %dma_wait3A_313 = arith.constant 0 : i32
      %dma_wait3A_314 = tpu.memref_slice %arg6[%dma_wait3A_312, %dma_wait3A_313] : memref<687x256xf32, #tpu.memory_space<hbm>> -> memref<16x256xf32, #tpu.memory_space<hbm>>
      tpu.wait_dma2 semaphore(%arg33 : memref<!tpu.dma_semaphore, #tpu.memory_space<semaphore_mem>>) src(%dma_wait3A_314 : memref<16x256xf32, #tpu.memory_space<hbm>>) dst(%arg31 : memref<16x256xf32, #tpu.memory_space<vmem>>)
      %mul3A_315 = arith.constant 16 : i32
      %mul3A_316 = arith.muli %add3A_266, %mul3A_315 : i32
      %add3A_317 = arith.addi %mul3A_2, %mul3A_316 : i32
      %mul3A_318 = arith.constant 1 : i32
      %mul3A_319 = arith.muli %mul3A_318, %add3A_317 : i32
      %multiple_of3A_320 = tpu.assume_multiple %mul3A_319, 8 : i32
      %dma_start3A_321 = arith.constant 0 : i32
      %dma_start3A_322 = tpu.memref_slice %arg7[%multiple_of3A_320, %dma_start3A_321] : memref<12288x384xf32, #tpu.memory_space<hbm>> -> memref<16x384xf32, #tpu.memory_space<hbm>>
      %dma_start3A_323 = arith.constant 0 : i32
      %dma_start3A_324 = tpu.memref_slice %arg7[%multiple_of3A_320, %dma_start3A_323] : memref<12288x384xf32, #tpu.memory_space<hbm>> -> memref<16x384xf32, #tpu.memory_space<hbm>>
      tpu.enqueue_dma source(%arg24 : memref<16x384xf32, #tpu.memory_space<vmem>>) target(%dma_start3A_324 : memref<16x384xf32, #tpu.memory_space<hbm>>) target_semaphore(%arg35 : memref<!tpu.dma_semaphore, #tpu.memory_space<semaphore_mem>>)
      %mul3A_325 = arith.constant 3 : i32
      %mul3A_326 = arith.muli %mul3A_325, %add3A_317 : i32
      %multiple_of3A_327 = tpu.assume_multiple %mul3A_326, 8 : i32
      %dma_start3A_328 = arith.constant 0 : i32
      %dma_start3A_329 = tpu.memref_slice %arg8[%multiple_of3A_327, %dma_start3A_328] : memref<36864x128xf32, #tpu.memory_space<hbm>> -> memref<48x128xf32, #tpu.memory_space<hbm>>
      %dma_start3A_330 = arith.constant 0 : i32
      %dma_start3A_331 = tpu.memref_slice %arg8[%multiple_of3A_327, %dma_start3A_330] : memref<36864x128xf32, #tpu.memory_space<hbm>> -> memref<48x128xf32, #tpu.memory_space<hbm>>
      tpu.enqueue_dma source(%arg25 : memref<48x128xf32, #tpu.memory_space<vmem>>) target(%dma_start3A_331 : memref<48x128xf32, #tpu.memory_space<hbm>>) target_semaphore(%arg35 : memref<!tpu.dma_semaphore, #tpu.memory_space<semaphore_mem>>)
      %mul3A_332 = arith.constant 2 : i32
      %mul3A_333 = arith.muli %mul3A_332, %add3A_317 : i32
      %multiple_of3A_334 = tpu.assume_multiple %mul3A_333, 8 : i32
      %dma_start3A_335 = arith.constant 0 : i32
      %dma_start3A_336 = tpu.memref_slice %arg9[%multiple_of3A_334, %dma_start3A_335] : memref<24576x128xf32, #tpu.memory_space<hbm>> -> memref<32x128xf32, #tpu.memory_space<hbm>>
      %dma_start3A_337 = arith.constant 0 : i32
      %dma_start3A_338 = tpu.memref_slice %arg9[%multiple_of3A_334, %dma_start3A_337] : memref<24576x128xf32, #tpu.memory_space<hbm>> -> memref<32x128xf32, #tpu.memory_space<hbm>>
      tpu.enqueue_dma source(%arg26 : memref<32x128xf32, #tpu.memory_space<vmem>>) target(%dma_start3A_338 : memref<32x128xf32, #tpu.memory_space<hbm>>) target_semaphore(%arg35 : memref<!tpu.dma_semaphore, #tpu.memory_space<semaphore_mem>>)
      %mul3A_339 = arith.constant 4 : i32
      %mul3A_340 = arith.muli %mul3A_339, %add3A_317 : i32
      %multiple_of3A_341 = tpu.assume_multiple %mul3A_340, 8 : i32
      %dma_start3A_342 = arith.constant 0 : i32
      %dma_start3A_343 = tpu.memref_slice %arg10[%multiple_of3A_341, %dma_start3A_342] : memref<49152x256xf32, #tpu.memory_space<hbm>> -> memref<64x256xf32, #tpu.memory_space<hbm>>
      %dma_start3A_344 = arith.constant 0 : i32
      %dma_start3A_345 = tpu.memref_slice %arg10[%multiple_of3A_341, %dma_start3A_344] : memref<49152x256xf32, #tpu.memory_space<hbm>> -> memref<64x256xf32, #tpu.memory_space<hbm>>
      tpu.enqueue_dma source(%arg27 : memref<64x256xf32, #tpu.memory_space<vmem>>) target(%dma_start3A_345 : memref<64x256xf32, #tpu.memory_space<hbm>>) target_semaphore(%arg35 : memref<!tpu.dma_semaphore, #tpu.memory_space<semaphore_mem>>)
      %mul3A_346 = arith.constant 1 : i32
      %mul3A_347 = arith.muli %mul3A_346, %add3A_317 : i32
      %multiple_of3A_348 = tpu.assume_multiple %mul3A_347, 8 : i32
      %dma_start3A_349 = arith.constant 0 : i32
      %dma_start3A_350 = tpu.memref_slice %arg11[%multiple_of3A_348, %dma_start3A_349] : memref<12288x128xf32, #tpu.memory_space<hbm>> -> memref<16x128xf32, #tpu.memory_space<hbm>>
      %dma_start3A_351 = arith.constant 0 : i32
      %dma_start3A_352 = tpu.memref_slice %arg11[%multiple_of3A_348, %dma_start3A_351] : memref<12288x128xf32, #tpu.memory_space<hbm>> -> memref<16x128xf32, #tpu.memory_space<hbm>>
      tpu.enqueue_dma source(%arg28 : memref<16x128xf32, #tpu.memory_space<vmem>>) target(%dma_start3A_352 : memref<16x128xf32, #tpu.memory_space<hbm>>) target_semaphore(%arg35 : memref<!tpu.dma_semaphore, #tpu.memory_space<semaphore_mem>>)
      %mul3A_353 = arith.constant 4 : i32
      %mul3A_354 = arith.muli %mul3A_353, %add3A_317 : i32
      %multiple_of3A_355 = tpu.assume_multiple %mul3A_354, 8 : i32
      %dma_start3A_356 = arith.constant 0 : i32
      %dma_start3A_357 = tpu.memref_slice %arg12[%multiple_of3A_355, %dma_start3A_356] : memref<49152x256xf32, #tpu.memory_space<hbm>> -> memref<64x256xf32, #tpu.memory_space<hbm>>
      %dma_start3A_358 = arith.constant 0 : i32
      %dma_start3A_359 = tpu.memref_slice %arg12[%multiple_of3A_355, %dma_start3A_358] : memref<49152x256xf32, #tpu.memory_space<hbm>> -> memref<64x256xf32, #tpu.memory_space<hbm>>
      tpu.enqueue_dma source(%arg29 : memref<64x256xf32, #tpu.memory_space<vmem>>) target(%dma_start3A_359 : memref<64x256xf32, #tpu.memory_space<hbm>>) target_semaphore(%arg35 : memref<!tpu.dma_semaphore, #tpu.memory_space<semaphore_mem>>)
      %mul3A_360 = arith.constant 1 : i32
      %mul3A_361 = arith.muli %mul3A_360, %add3A_317 : i32
      %multiple_of3A_362 = tpu.assume_multiple %mul3A_361, 8 : i32
      %dma_start3A_363 = arith.constant 0 : i32
      %dma_start3A_364 = tpu.memref_slice %arg13[%multiple_of3A_362, %dma_start3A_363] : memref<12288x128xf32, #tpu.memory_space<hbm>> -> memref<16x128xf32, #tpu.memory_space<hbm>>
      %dma_start3A_365 = arith.constant 0 : i32
      %dma_start3A_366 = tpu.memref_slice %arg13[%multiple_of3A_362, %dma_start3A_365] : memref<12288x128xf32, #tpu.memory_space<hbm>> -> memref<16x128xf32, #tpu.memory_space<hbm>>
      tpu.enqueue_dma source(%arg30 : memref<16x128xf32, #tpu.memory_space<vmem>>) target(%dma_start3A_366 : memref<16x128xf32, #tpu.memory_space<hbm>>) target_semaphore(%arg35 : memref<!tpu.dma_semaphore, #tpu.memory_space<semaphore_mem>>)
      %mul3A_367 = arith.constant 1 : i32
      %mul3A_368 = arith.muli %mul3A_367, %add3A_317 : i32
      %multiple_of3A_369 = tpu.assume_multiple %mul3A_368, 8 : i32
      %dma_start3A_370 = arith.constant 0 : i32
      %dma_start3A_371 = tpu.memref_slice %arg14[%multiple_of3A_369, %dma_start3A_370] : memref<12288x256xf32, #tpu.memory_space<hbm>> -> memref<16x256xf32, #tpu.memory_space<hbm>>
      %dma_start3A_372 = arith.constant 0 : i32
      %dma_start3A_373 = tpu.memref_slice %arg14[%multiple_of3A_369, %dma_start3A_372] : memref<12288x256xf32, #tpu.memory_space<hbm>> -> memref<16x256xf32, #tpu.memory_space<hbm>>
      tpu.enqueue_dma source(%arg31 : memref<16x256xf32, #tpu.memory_space<vmem>>) target(%dma_start3A_373 : memref<16x256xf32, #tpu.memory_space<hbm>>) target_semaphore(%arg35 : memref<!tpu.dma_semaphore, #tpu.memory_space<semaphore_mem>>)
      %add3A_374 = arith.constant 1 : i32
      %add3A_375 = arith.addi %add3A_266, %add3A_374 : i32
      %lt3A_376 = arith.constant 24 : i32
      %lt3A_377 = arith.cmpi slt, %add3A_375, %lt3A_376 : i32
      %convert_element_type3A_378 = arith.extui %lt3A_377 : i1 to i32
      %cond3A_379 = arith.constant 0 : i32
      %cond3A_380 = arith.cmpi ne, %convert_element_type3A_378, %cond3A_379 : i32
      scf.if %cond3A_380 {
        %ge3A = arith.constant 2 : i32
        %ge3A_381 = arith.cmpi sge, %add3A_375, %ge3A : i32
        %convert_element_type3A_382 = arith.extui %ge3A_381 : i1 to i32
        %cond3A_383 = arith.constant 0 : i32
        %cond3A_384 = arith.cmpi ne, %convert_element_type3A_382, %cond3A_383 : i32
        scf.if %cond3A_384 {
          %dma_wait3A_457 = arith.constant 0 : i32
          %dma_wait3A_458 = arith.constant 0 : i32
          %dma_wait3A_459 = tpu.memref_slice %arg7[%dma_wait3A_457, %dma_wait3A_458] : memref<12288x384xf32, #tpu.memory_space<hbm>> -> memref<16x384xf32, #tpu.memory_space<hbm>>
          %dma_wait3A_460 = arith.constant 0 : i32
          %dma_wait3A_461 = arith.constant 0 : i32
          %dma_wait3A_462 = tpu.memref_slice %arg7[%dma_wait3A_460, %dma_wait3A_461] : memref<12288x384xf32, #tpu.memory_space<hbm>> -> memref<16x384xf32, #tpu.memory_space<hbm>>
          tpu.wait_dma2 semaphore(%arg34 : memref<!tpu.dma_semaphore, #tpu.memory_space<semaphore_mem>>) src(%arg16 : memref<16x384xf32, #tpu.memory_space<vmem>>) dst(%dma_wait3A_462 : memref<16x384xf32, #tpu.memory_space<hbm>>)
          %dma_wait3A_463 = arith.constant 0 : i32
          %dma_wait3A_464 = arith.constant 0 : i32
          %dma_wait3A_465 = tpu.memref_slice %arg8[%dma_wait3A_463, %dma_wait3A_464] : memref<36864x128xf32, #tpu.memory_space<hbm>> -> memref<48x128xf32, #tpu.memory_space<hbm>>
          %dma_wait3A_466 = arith.constant 0 : i32
          %dma_wait3A_467 = arith.constant 0 : i32
          %dma_wait3A_468 = tpu.memref_slice %arg8[%dma_wait3A_466, %dma_wait3A_467] : memref<36864x128xf32, #tpu.memory_space<hbm>> -> memref<48x128xf32, #tpu.memory_space<hbm>>
          tpu.wait_dma2 semaphore(%arg34 : memref<!tpu.dma_semaphore, #tpu.memory_space<semaphore_mem>>) src(%arg17 : memref<48x128xf32, #tpu.memory_space<vmem>>) dst(%dma_wait3A_468 : memref<48x128xf32, #tpu.memory_space<hbm>>)
          %dma_wait3A_469 = arith.constant 0 : i32
          %dma_wait3A_470 = arith.constant 0 : i32
          %dma_wait3A_471 = tpu.memref_slice %arg9[%dma_wait3A_469, %dma_wait3A_470] : memref<24576x128xf32, #tpu.memory_space<hbm>> -> memref<32x128xf32, #tpu.memory_space<hbm>>
          %dma_wait3A_472 = arith.constant 0 : i32
          %dma_wait3A_473 = arith.constant 0 : i32
          %dma_wait3A_474 = tpu.memref_slice %arg9[%dma_wait3A_472, %dma_wait3A_473] : memref<24576x128xf32, #tpu.memory_space<hbm>> -> memref<32x128xf32, #tpu.memory_space<hbm>>
          tpu.wait_dma2 semaphore(%arg34 : memref<!tpu.dma_semaphore, #tpu.memory_space<semaphore_mem>>) src(%arg18 : memref<32x128xf32, #tpu.memory_space<vmem>>) dst(%dma_wait3A_474 : memref<32x128xf32, #tpu.memory_space<hbm>>)
          %dma_wait3A_475 = arith.constant 0 : i32
          %dma_wait3A_476 = arith.constant 0 : i32
          %dma_wait3A_477 = tpu.memref_slice %arg10[%dma_wait3A_475, %dma_wait3A_476] : memref<49152x256xf32, #tpu.memory_space<hbm>> -> memref<64x256xf32, #tpu.memory_space<hbm>>
          %dma_wait3A_478 = arith.constant 0 : i32
          %dma_wait3A_479 = arith.constant 0 : i32
          %dma_wait3A_480 = tpu.memref_slice %arg10[%dma_wait3A_478, %dma_wait3A_479] : memref<49152x256xf32, #tpu.memory_space<hbm>> -> memref<64x256xf32, #tpu.memory_space<hbm>>
          tpu.wait_dma2 semaphore(%arg34 : memref<!tpu.dma_semaphore, #tpu.memory_space<semaphore_mem>>) src(%arg19 : memref<64x256xf32, #tpu.memory_space<vmem>>) dst(%dma_wait3A_480 : memref<64x256xf32, #tpu.memory_space<hbm>>)
          %dma_wait3A_481 = arith.constant 0 : i32
          %dma_wait3A_482 = arith.constant 0 : i32
          %dma_wait3A_483 = tpu.memref_slice %arg11[%dma_wait3A_481, %dma_wait3A_482] : memref<12288x128xf32, #tpu.memory_space<hbm>> -> memref<16x128xf32, #tpu.memory_space<hbm>>
          %dma_wait3A_484 = arith.constant 0 : i32
          %dma_wait3A_485 = arith.constant 0 : i32
          %dma_wait3A_486 = tpu.memref_slice %arg11[%dma_wait3A_484, %dma_wait3A_485] : memref<12288x128xf32, #tpu.memory_space<hbm>> -> memref<16x128xf32, #tpu.memory_space<hbm>>
          tpu.wait_dma2 semaphore(%arg34 : memref<!tpu.dma_semaphore, #tpu.memory_space<semaphore_mem>>) src(%arg20 : memref<16x128xf32, #tpu.memory_space<vmem>>) dst(%dma_wait3A_486 : memref<16x128xf32, #tpu.memory_space<hbm>>)
          %dma_wait3A_487 = arith.constant 0 : i32
          %dma_wait3A_488 = arith.constant 0 : i32
          %dma_wait3A_489 = tpu.memref_slice %arg12[%dma_wait3A_487, %dma_wait3A_488] : memref<49152x256xf32, #tpu.memory_space<hbm>> -> memref<64x256xf32, #tpu.memory_space<hbm>>
          %dma_wait3A_490 = arith.constant 0 : i32
          %dma_wait3A_491 = arith.constant 0 : i32
          %dma_wait3A_492 = tpu.memref_slice %arg12[%dma_wait3A_490, %dma_wait3A_491] : memref<49152x256xf32, #tpu.memory_space<hbm>> -> memref<64x256xf32, #tpu.memory_space<hbm>>
          tpu.wait_dma2 semaphore(%arg34 : memref<!tpu.dma_semaphore, #tpu.memory_space<semaphore_mem>>) src(%arg21 : memref<64x256xf32, #tpu.memory_space<vmem>>) dst(%dma_wait3A_492 : memref<64x256xf32, #tpu.memory_space<hbm>>)
          %dma_wait3A_493 = arith.constant 0 : i32
          %dma_wait3A_494 = arith.constant 0 : i32
          %dma_wait3A_495 = tpu.memref_slice %arg13[%dma_wait3A_493, %dma_wait3A_494] : memref<12288x128xf32, #tpu.memory_space<hbm>> -> memref<16x128xf32, #tpu.memory_space<hbm>>
          %dma_wait3A_496 = arith.constant 0 : i32
          %dma_wait3A_497 = arith.constant 0 : i32
          %dma_wait3A_498 = tpu.memref_slice %arg13[%dma_wait3A_496, %dma_wait3A_497] : memref<12288x128xf32, #tpu.memory_space<hbm>> -> memref<16x128xf32, #tpu.memory_space<hbm>>
          tpu.wait_dma2 semaphore(%arg34 : memref<!tpu.dma_semaphore, #tpu.memory_space<semaphore_mem>>) src(%arg22 : memref<16x128xf32, #tpu.memory_space<vmem>>) dst(%dma_wait3A_498 : memref<16x128xf32, #tpu.memory_space<hbm>>)
          %dma_wait3A_499 = arith.constant 0 : i32
          %dma_wait3A_500 = arith.constant 0 : i32
          %dma_wait3A_501 = tpu.memref_slice %arg14[%dma_wait3A_499, %dma_wait3A_500] : memref<12288x256xf32, #tpu.memory_space<hbm>> -> memref<16x256xf32, #tpu.memory_space<hbm>>
          %dma_wait3A_502 = arith.constant 0 : i32
          %dma_wait3A_503 = arith.constant 0 : i32
          %dma_wait3A_504 = tpu.memref_slice %arg14[%dma_wait3A_502, %dma_wait3A_503] : memref<12288x256xf32, #tpu.memory_space<hbm>> -> memref<16x256xf32, #tpu.memory_space<hbm>>
          tpu.wait_dma2 semaphore(%arg34 : memref<!tpu.dma_semaphore, #tpu.memory_space<semaphore_mem>>) src(%arg23 : memref<16x256xf32, #tpu.memory_space<vmem>>) dst(%dma_wait3A_504 : memref<16x256xf32, #tpu.memory_space<hbm>>)
        } else {
        }
        %mul3A_385 = arith.constant 16 : i32
        %mul3A_386 = arith.muli %add3A_375, %mul3A_385 : i32
        %add3A_387 = arith.constant 0 : i32
        %add3A_388 = arith.addi %add3A_387, %mul3A_386 : i32
        %multiple_of3A_389 = tpu.assume_multiple %add3A_388, 8 : i32
        %dma_start3A_390 = tpu.memref_slice %arg15[%multiple_of3A_389] : memref<6528xi32, #tpu.memory_space<vmem>> -> memref<16xi32, #tpu.memory_space<vmem>>
        %dma_start3A_391 = arith.constant 0 : i32
        %dma_start3A_392 = arith.constant 0 : i32
        %dma_start3A_393 = tpu.memref_slice %arg3[%dma_start3A_391, %dma_start3A_392] : memref<1331x384xf32, #tpu.memory_space<hbm>> -> memref<1331x384xf32, #tpu.memory_space<hbm>>
        tpu.enqueue_indirect_dma source(%dma_start3A_393 : memref<1331x384xf32, #tpu.memory_space<hbm>>) target(%arg16 : memref<16x384xf32, #tpu.memory_space<vmem>>) offsets(%dma_start3A_390 : memref<16xi32, #tpu.memory_space<vmem>>) semaphore(%arg32 : memref<!tpu.dma_semaphore, #tpu.memory_space<semaphore_mem>>)
        %mul3A_394 = arith.constant 48 : i32
        %mul3A_395 = arith.muli %add3A_375, %mul3A_394 : i32
        %add3A_396 = arith.constant 384 : i32
        %add3A_397 = arith.addi %add3A_396, %mul3A_395 : i32
        %multiple_of3A_398 = tpu.assume_multiple %add3A_397, 8 : i32
        %dma_start3A_399 = tpu.memref_slice %arg15[%multiple_of3A_398] : memref<6528xi32, #tpu.memory_space<vmem>> -> memref<48xi32, #tpu.memory_space<vmem>>
        %dma_start3A_400 = arith.constant 0 : i32
        %dma_start3A_401 = arith.constant 0 : i32
        %dma_start3A_402 = tpu.memref_slice %arg4[%dma_start3A_400, %dma_start3A_401] : memref<313x128xf32, #tpu.memory_space<hbm>> -> memref<313x128xf32, #tpu.memory_space<hbm>>
        tpu.enqueue_indirect_dma source(%dma_start3A_402 : memref<313x128xf32, #tpu.memory_space<hbm>>) target(%arg17 : memref<48x128xf32, #tpu.memory_space<vmem>>) offsets(%dma_start3A_399 : memref<48xi32, #tpu.memory_space<vmem>>) semaphore(%arg32 : memref<!tpu.dma_semaphore, #tpu.memory_space<semaphore_mem>>)
        %mul3A_403 = arith.constant 32 : i32
        %mul3A_404 = arith.muli %add3A_375, %mul3A_403 : i32
        %add3A_405 = arith.constant 1536 : i32
        %add3A_406 = arith.addi %add3A_405, %mul3A_404 : i32
        %multiple_of3A_407 = tpu.assume_multiple %add3A_406, 8 : i32
        %dma_start3A_408 = tpu.memref_slice %arg15[%multiple_of3A_407] : memref<6528xi32, #tpu.memory_space<vmem>> -> memref<32xi32, #tpu.memory_space<vmem>>
        %dma_start3A_409 = arith.constant 0 : i32
        %dma_start3A_410 = arith.constant 0 : i32
        %dma_start3A_411 = tpu.memref_slice %arg5[%dma_start3A_409, %dma_start3A_410] : memref<250x128xf32, #tpu.memory_space<hbm>> -> memref<250x128xf32, #tpu.memory_space<hbm>>
        tpu.enqueue_indirect_dma source(%dma_start3A_411 : memref<250x128xf32, #tpu.memory_space<hbm>>) target(%arg18 : memref<32x128xf32, #tpu.memory_space<vmem>>) offsets(%dma_start3A_408 : memref<32xi32, #tpu.memory_space<vmem>>) semaphore(%arg32 : memref<!tpu.dma_semaphore, #tpu.memory_space<semaphore_mem>>)
        %mul3A_412 = arith.constant 64 : i32
        %mul3A_413 = arith.muli %add3A_375, %mul3A_412 : i32
        %add3A_414 = arith.constant 2304 : i32
        %add3A_415 = arith.addi %add3A_414, %mul3A_413 : i32
        %multiple_of3A_416 = tpu.assume_multiple %add3A_415, 8 : i32
        %dma_start3A_417 = tpu.memref_slice %arg15[%multiple_of3A_416] : memref<6528xi32, #tpu.memory_space<vmem>> -> memref<64xi32, #tpu.memory_space<vmem>>
        %dma_start3A_418 = arith.constant 0 : i32
        %dma_start3A_419 = arith.constant 0 : i32
        %dma_start3A_420 = tpu.memref_slice %arg6[%dma_start3A_418, %dma_start3A_419] : memref<687x256xf32, #tpu.memory_space<hbm>> -> memref<687x256xf32, #tpu.memory_space<hbm>>
        tpu.enqueue_indirect_dma source(%dma_start3A_420 : memref<687x256xf32, #tpu.memory_space<hbm>>) target(%arg19 : memref<64x256xf32, #tpu.memory_space<vmem>>) offsets(%dma_start3A_417 : memref<64xi32, #tpu.memory_space<vmem>>) semaphore(%arg32 : memref<!tpu.dma_semaphore, #tpu.memory_space<semaphore_mem>>)
        %mul3A_421 = arith.constant 16 : i32
        %mul3A_422 = arith.muli %add3A_375, %mul3A_421 : i32
        %add3A_423 = arith.constant 3840 : i32
        %add3A_424 = arith.addi %add3A_423, %mul3A_422 : i32
        %multiple_of3A_425 = tpu.assume_multiple %add3A_424, 8 : i32
        %dma_start3A_426 = tpu.memref_slice %arg15[%multiple_of3A_425] : memref<6528xi32, #tpu.memory_space<vmem>> -> memref<16xi32, #tpu.memory_space<vmem>>
        %dma_start3A_427 = arith.constant 0 : i32
        %dma_start3A_428 = arith.constant 0 : i32
        %dma_start3A_429 = tpu.memref_slice %arg4[%dma_start3A_427, %dma_start3A_428] : memref<313x128xf32, #tpu.memory_space<hbm>> -> memref<313x128xf32, #tpu.memory_space<hbm>>
        tpu.enqueue_indirect_dma source(%dma_start3A_429 : memref<313x128xf32, #tpu.memory_space<hbm>>) target(%arg20 : memref<16x128xf32, #tpu.memory_space<vmem>>) offsets(%dma_start3A_426 : memref<16xi32, #tpu.memory_space<vmem>>) semaphore(%arg32 : memref<!tpu.dma_semaphore, #tpu.memory_space<semaphore_mem>>)
        %mul3A_430 = arith.constant 64 : i32
        %mul3A_431 = arith.muli %add3A_375, %mul3A_430 : i32
        %add3A_432 = arith.constant 4224 : i32
        %add3A_433 = arith.addi %add3A_432, %mul3A_431 : i32
        %multiple_of3A_434 = tpu.assume_multiple %add3A_433, 8 : i32
        %dma_start3A_435 = tpu.memref_slice %arg15[%multiple_of3A_434] : memref<6528xi32, #tpu.memory_space<vmem>> -> memref<64xi32, #tpu.memory_space<vmem>>
        %dma_start3A_436 = arith.constant 0 : i32
        %dma_start3A_437 = arith.constant 0 : i32
        %dma_start3A_438 = tpu.memref_slice %arg6[%dma_start3A_436, %dma_start3A_437] : memref<687x256xf32, #tpu.memory_space<hbm>> -> memref<687x256xf32, #tpu.memory_space<hbm>>
        tpu.enqueue_indirect_dma source(%dma_start3A_438 : memref<687x256xf32, #tpu.memory_space<hbm>>) target(%arg21 : memref<64x256xf32, #tpu.memory_space<vmem>>) offsets(%dma_start3A_435 : memref<64xi32, #tpu.memory_space<vmem>>) semaphore(%arg32 : memref<!tpu.dma_semaphore, #tpu.memory_space<semaphore_mem>>)
        %mul3A_439 = arith.constant 16 : i32
        %mul3A_440 = arith.muli %add3A_375, %mul3A_439 : i32
        %add3A_441 = arith.constant 5760 : i32
        %add3A_442 = arith.addi %add3A_441, %mul3A_440 : i32
        %multiple_of3A_443 = tpu.assume_multiple %add3A_442, 8 : i32
        %dma_start3A_444 = tpu.memref_slice %arg15[%multiple_of3A_443] : memref<6528xi32, #tpu.memory_space<vmem>> -> memref<16xi32, #tpu.memory_space<vmem>>
        %dma_start3A_445 = arith.constant 0 : i32
        %dma_start3A_446 = arith.constant 0 : i32
        %dma_start3A_447 = tpu.memref_slice %arg5[%dma_start3A_445, %dma_start3A_446] : memref<250x128xf32, #tpu.memory_space<hbm>> -> memref<250x128xf32, #tpu.memory_space<hbm>>
        tpu.enqueue_indirect_dma source(%dma_start3A_447 : memref<250x128xf32, #tpu.memory_space<hbm>>) target(%arg22 : memref<16x128xf32, #tpu.memory_space<vmem>>) offsets(%dma_start3A_444 : memref<16xi32, #tpu.memory_space<vmem>>) semaphore(%arg32 : memref<!tpu.dma_semaphore, #tpu.memory_space<semaphore_mem>>)
        %mul3A_448 = arith.constant 16 : i32
        %mul3A_449 = arith.muli %add3A_375, %mul3A_448 : i32
        %add3A_450 = arith.constant 6144 : i32
        %add3A_451 = arith.addi %add3A_450, %mul3A_449 : i32
        %multiple_of3A_452 = tpu.assume_multiple %add3A_451, 8 : i32
        %dma_start3A_453 = tpu.memref_slice %arg15[%multiple_of3A_452] : memref<6528xi32, #tpu.memory_space<vmem>> -> memref<16xi32, #tpu.memory_space<vmem>>
        %dma_start3A_454 = arith.constant 0 : i32
        %dma_start3A_455 = arith.constant 0 : i32
        %dma_start3A_456 = tpu.memref_slice %arg6[%dma_start3A_454, %dma_start3A_455] : memref<687x256xf32, #tpu.memory_space<hbm>> -> memref<687x256xf32, #tpu.memory_space<hbm>>
        tpu.enqueue_indirect_dma source(%dma_start3A_456 : memref<687x256xf32, #tpu.memory_space<hbm>>) target(%arg23 : memref<16x256xf32, #tpu.memory_space<vmem>>) offsets(%dma_start3A_453 : memref<16xi32, #tpu.memory_space<vmem>>) semaphore(%arg32 : memref<!tpu.dma_semaphore, #tpu.memory_space<semaphore_mem>>)
      } else {
      }
    }
    %scan3A_53 = arith.constant 12 : i32
    %dma_wait3A = arith.constant 0 : i32
    %dma_wait3A_54 = arith.constant 0 : i32
    %dma_wait3A_55 = tpu.memref_slice %arg7[%dma_wait3A, %dma_wait3A_54] : memref<12288x384xf32, #tpu.memory_space<hbm>> -> memref<16x384xf32, #tpu.memory_space<hbm>>
    %dma_wait3A_56 = arith.constant 0 : i32
    %dma_wait3A_57 = arith.constant 0 : i32
    %dma_wait3A_58 = tpu.memref_slice %arg7[%dma_wait3A_56, %dma_wait3A_57] : memref<12288x384xf32, #tpu.memory_space<hbm>> -> memref<16x384xf32, #tpu.memory_space<hbm>>
    tpu.wait_dma2 semaphore(%arg34 : memref<!tpu.dma_semaphore, #tpu.memory_space<semaphore_mem>>) src(%arg16 : memref<16x384xf32, #tpu.memory_space<vmem>>) dst(%dma_wait3A_58 : memref<16x384xf32, #tpu.memory_space<hbm>>)
    %dma_wait3A_59 = arith.constant 0 : i32
    %dma_wait3A_60 = arith.constant 0 : i32
    %dma_wait3A_61 = tpu.memref_slice %arg8[%dma_wait3A_59, %dma_wait3A_60] : memref<36864x128xf32, #tpu.memory_space<hbm>> -> memref<48x128xf32, #tpu.memory_space<hbm>>
    %dma_wait3A_62 = arith.constant 0 : i32
    %dma_wait3A_63 = arith.constant 0 : i32
    %dma_wait3A_64 = tpu.memref_slice %arg8[%dma_wait3A_62, %dma_wait3A_63] : memref<36864x128xf32, #tpu.memory_space<hbm>> -> memref<48x128xf32, #tpu.memory_space<hbm>>
    tpu.wait_dma2 semaphore(%arg34 : memref<!tpu.dma_semaphore, #tpu.memory_space<semaphore_mem>>) src(%arg17 : memref<48x128xf32, #tpu.memory_space<vmem>>) dst(%dma_wait3A_64 : memref<48x128xf32, #tpu.memory_space<hbm>>)
    %dma_wait3A_65 = arith.constant 0 : i32
    %dma_wait3A_66 = arith.constant 0 : i32
    %dma_wait3A_67 = tpu.memref_slice %arg9[%dma_wait3A_65, %dma_wait3A_66] : memref<24576x128xf32, #tpu.memory_space<hbm>> -> memref<32x128xf32, #tpu.memory_space<hbm>>
    %dma_wait3A_68 = arith.constant 0 : i32
    %dma_wait3A_69 = arith.constant 0 : i32
    %dma_wait3A_70 = tpu.memref_slice %arg9[%dma_wait3A_68, %dma_wait3A_69] : memref<24576x128xf32, #tpu.memory_space<hbm>> -> memref<32x128xf32, #tpu.memory_space<hbm>>
    tpu.wait_dma2 semaphore(%arg34 : memref<!tpu.dma_semaphore, #tpu.memory_space<semaphore_mem>>) src(%arg18 : memref<32x128xf32, #tpu.memory_space<vmem>>) dst(%dma_wait3A_70 : memref<32x128xf32, #tpu.memory_space<hbm>>)
    %dma_wait3A_71 = arith.constant 0 : i32
    %dma_wait3A_72 = arith.constant 0 : i32
    %dma_wait3A_73 = tpu.memref_slice %arg10[%dma_wait3A_71, %dma_wait3A_72] : memref<49152x256xf32, #tpu.memory_space<hbm>> -> memref<64x256xf32, #tpu.memory_space<hbm>>
    %dma_wait3A_74 = arith.constant 0 : i32
    %dma_wait3A_75 = arith.constant 0 : i32
    %dma_wait3A_76 = tpu.memref_slice %arg10[%dma_wait3A_74, %dma_wait3A_75] : memref<49152x256xf32, #tpu.memory_space<hbm>> -> memref<64x256xf32, #tpu.memory_space<hbm>>
    tpu.wait_dma2 semaphore(%arg34 : memref<!tpu.dma_semaphore, #tpu.memory_space<semaphore_mem>>) src(%arg19 : memref<64x256xf32, #tpu.memory_space<vmem>>) dst(%dma_wait3A_76 : memref<64x256xf32, #tpu.memory_space<hbm>>)
    %dma_wait3A_77 = arith.constant 0 : i32
    %dma_wait3A_78 = arith.constant 0 : i32
    %dma_wait3A_79 = tpu.memref_slice %arg11[%dma_wait3A_77, %dma_wait3A_78] : memref<12288x128xf32, #tpu.memory_space<hbm>> -> memref<16x128xf32, #tpu.memory_space<hbm>>
    %dma_wait3A_80 = arith.constant 0 : i32
    %dma_wait3A_81 = arith.constant 0 : i32
    %dma_wait3A_82 = tpu.memref_slice %arg11[%dma_wait3A_80, %dma_wait3A_81] : memref<12288x128xf32, #tpu.memory_space<hbm>> -> memref<16x128xf32, #tpu.memory_space<hbm>>
    tpu.wait_dma2 semaphore(%arg34 : memref<!tpu.dma_semaphore, #tpu.memory_space<semaphore_mem>>) src(%arg20 : memref<16x128xf32, #tpu.memory_space<vmem>>) dst(%dma_wait3A_82 : memref<16x128xf32, #tpu.memory_space<hbm>>)
    %dma_wait3A_83 = arith.constant 0 : i32
    %dma_wait3A_84 = arith.constant 0 : i32
    %dma_wait3A_85 = tpu.memref_slice %arg12[%dma_wait3A_83, %dma_wait3A_84] : memref<49152x256xf32, #tpu.memory_space<hbm>> -> memref<64x256xf32, #tpu.memory_space<hbm>>
    %dma_wait3A_86 = arith.constant 0 : i32
    %dma_wait3A_87 = arith.constant 0 : i32
    %dma_wait3A_88 = tpu.memref_slice %arg12[%dma_wait3A_86, %dma_wait3A_87] : memref<49152x256xf32, #tpu.memory_space<hbm>> -> memref<64x256xf32, #tpu.memory_space<hbm>>
    tpu.wait_dma2 semaphore(%arg34 : memref<!tpu.dma_semaphore, #tpu.memory_space<semaphore_mem>>) src(%arg21 : memref<64x256xf32, #tpu.memory_space<vmem>>) dst(%dma_wait3A_88 : memref<64x256xf32, #tpu.memory_space<hbm>>)
    %dma_wait3A_89 = arith.constant 0 : i32
    %dma_wait3A_90 = arith.constant 0 : i32
    %dma_wait3A_91 = tpu.memref_slice %arg13[%dma_wait3A_89, %dma_wait3A_90] : memref<12288x128xf32, #tpu.memory_space<hbm>> -> memref<16x128xf32, #tpu.memory_space<hbm>>
    %dma_wait3A_92 = arith.constant 0 : i32
    %dma_wait3A_93 = arith.constant 0 : i32
    %dma_wait3A_94 = tpu.memref_slice %arg13[%dma_wait3A_92, %dma_wait3A_93] : memref<12288x128xf32, #tpu.memory_space<hbm>> -> memref<16x128xf32, #tpu.memory_space<hbm>>
    tpu.wait_dma2 semaphore(%arg34 : memref<!tpu.dma_semaphore, #tpu.memory_space<semaphore_mem>>) src(%arg22 : memref<16x128xf32, #tpu.memory_space<vmem>>) dst(%dma_wait3A_94 : memref<16x128xf32, #tpu.memory_space<hbm>>)
    %dma_wait3A_95 = arith.constant 0 : i32
    %dma_wait3A_96 = arith.constant 0 : i32
    %dma_wait3A_97 = tpu.memref_slice %arg14[%dma_wait3A_95, %dma_wait3A_96] : memref<12288x256xf32, #tpu.memory_space<hbm>> -> memref<16x256xf32, #tpu.memory_space<hbm>>
    %dma_wait3A_98 = arith.constant 0 : i32
    %dma_wait3A_99 = arith.constant 0 : i32
    %dma_wait3A_100 = tpu.memref_slice %arg14[%dma_wait3A_98, %dma_wait3A_99] : memref<12288x256xf32, #tpu.memory_space<hbm>> -> memref<16x256xf32, #tpu.memory_space<hbm>>
    tpu.wait_dma2 semaphore(%arg34 : memref<!tpu.dma_semaphore, #tpu.memory_space<semaphore_mem>>) src(%arg23 : memref<16x256xf32, #tpu.memory_space<vmem>>) dst(%dma_wait3A_100 : memref<16x256xf32, #tpu.memory_space<hbm>>)
    %dma_wait3A_101 = arith.constant 0 : i32
    %dma_wait3A_102 = arith.constant 0 : i32
    %dma_wait3A_103 = tpu.memref_slice %arg7[%dma_wait3A_101, %dma_wait3A_102] : memref<12288x384xf32, #tpu.memory_space<hbm>> -> memref<16x384xf32, #tpu.memory_space<hbm>>
    %dma_wait3A_104 = arith.constant 0 : i32
    %dma_wait3A_105 = arith.constant 0 : i32
    %dma_wait3A_106 = tpu.memref_slice %arg7[%dma_wait3A_104, %dma_wait3A_105] : memref<12288x384xf32, #tpu.memory_space<hbm>> -> memref<16x384xf32, #tpu.memory_space<hbm>>
    tpu.wait_dma2 semaphore(%arg35 : memref<!tpu.dma_semaphore, #tpu.memory_space<semaphore_mem>>) src(%arg24 : memref<16x384xf32, #tpu.memory_space<vmem>>) dst(%dma_wait3A_106 : memref<16x384xf32, #tpu.memory_space<hbm>>)
    %dma_wait3A_107 = arith.constant 0 : i32
    %dma_wait3A_108 = arith.constant 0 : i32
    %dma_wait3A_109 = tpu.memref_slice %arg8[%dma_wait3A_107, %dma_wait3A_108] : memref<36864x128xf32, #tpu.memory_space<hbm>> -> memref<48x128xf32, #tpu.memory_space<hbm>>
    %dma_wait3A_110 = arith.constant 0 : i32
    %dma_wait3A_111 = arith.constant 0 : i32
    %dma_wait3A_112 = tpu.memref_slice %arg8[%dma_wait3A_110, %dma_wait3A_111] : memref<36864x128xf32, #tpu.memory_space<hbm>> -> memref<48x128xf32, #tpu.memory_space<hbm>>
    tpu.wait_dma2 semaphore(%arg35 : memref<!tpu.dma_semaphore, #tpu.memory_space<semaphore_mem>>) src(%arg25 : memref<48x128xf32, #tpu.memory_space<vmem>>) dst(%dma_wait3A_112 : memref<48x128xf32, #tpu.memory_space<hbm>>)
    %dma_wait3A_113 = arith.constant 0 : i32
    %dma_wait3A_114 = arith.constant 0 : i32
    %dma_wait3A_115 = tpu.memref_slice %arg9[%dma_wait3A_113, %dma_wait3A_114] : memref<24576x128xf32, #tpu.memory_space<hbm>> -> memref<32x128xf32, #tpu.memory_space<hbm>>
    %dma_wait3A_116 = arith.constant 0 : i32
    %dma_wait3A_117 = arith.constant 0 : i32
    %dma_wait3A_118 = tpu.memref_slice %arg9[%dma_wait3A_116, %dma_wait3A_117] : memref<24576x128xf32, #tpu.memory_space<hbm>> -> memref<32x128xf32, #tpu.memory_space<hbm>>
    tpu.wait_dma2 semaphore(%arg35 : memref<!tpu.dma_semaphore, #tpu.memory_space<semaphore_mem>>) src(%arg26 : memref<32x128xf32, #tpu.memory_space<vmem>>) dst(%dma_wait3A_118 : memref<32x128xf32, #tpu.memory_space<hbm>>)
    %dma_wait3A_119 = arith.constant 0 : i32
    %dma_wait3A_120 = arith.constant 0 : i32
    %dma_wait3A_121 = tpu.memref_slice %arg10[%dma_wait3A_119, %dma_wait3A_120] : memref<49152x256xf32, #tpu.memory_space<hbm>> -> memref<64x256xf32, #tpu.memory_space<hbm>>
    %dma_wait3A_122 = arith.constant 0 : i32
    %dma_wait3A_123 = arith.constant 0 : i32
    %dma_wait3A_124 = tpu.memref_slice %arg10[%dma_wait3A_122, %dma_wait3A_123] : memref<49152x256xf32, #tpu.memory_space<hbm>> -> memref<64x256xf32, #tpu.memory_space<hbm>>
    tpu.wait_dma2 semaphore(%arg35 : memref<!tpu.dma_semaphore, #tpu.memory_space<semaphore_mem>>) src(%arg27 : memref<64x256xf32, #tpu.memory_space<vmem>>) dst(%dma_wait3A_124 : memref<64x256xf32, #tpu.memory_space<hbm>>)
    %dma_wait3A_125 = arith.constant 0 : i32
    %dma_wait3A_126 = arith.constant 0 : i32
    %dma_wait3A_127 = tpu.memref_slice %arg11[%dma_wait3A_125, %dma_wait3A_126] : memref<12288x128xf32, #tpu.memory_space<hbm>> -> memref<16x128xf32, #tpu.memory_space<hbm>>
    %dma_wait3A_128 = arith.constant 0 : i32
    %dma_wait3A_129 = arith.constant 0 : i32
    %dma_wait3A_130 = tpu.memref_slice %arg11[%dma_wait3A_128, %dma_wait3A_129] : memref<12288x128xf32, #tpu.memory_space<hbm>> -> memref<16x128xf32, #tpu.memory_space<hbm>>
    tpu.wait_dma2 semaphore(%arg35 : memref<!tpu.dma_semaphore, #tpu.memory_space<semaphore_mem>>) src(%arg28 : memref<16x128xf32, #tpu.memory_space<vmem>>) dst(%dma_wait3A_130 : memref<16x128xf32, #tpu.memory_space<hbm>>)
    %dma_wait3A_131 = arith.constant 0 : i32
    %dma_wait3A_132 = arith.constant 0 : i32
    %dma_wait3A_133 = tpu.memref_slice %arg12[%dma_wait3A_131, %dma_wait3A_132] : memref<49152x256xf32, #tpu.memory_space<hbm>> -> memref<64x256xf32, #tpu.memory_space<hbm>>
    %dma_wait3A_134 = arith.constant 0 : i32
    %dma_wait3A_135 = arith.constant 0 : i32
    %dma_wait3A_136 = tpu.memref_slice %arg12[%dma_wait3A_134, %dma_wait3A_135] : memref<49152x256xf32, #tpu.memory_space<hbm>> -> memref<64x256xf32, #tpu.memory_space<hbm>>
    tpu.wait_dma2 semaphore(%arg35 : memref<!tpu.dma_semaphore, #tpu.memory_space<semaphore_mem>>) src(%arg29 : memref<64x256xf32, #tpu.memory_space<vmem>>) dst(%dma_wait3A_136 : memref<64x256xf32, #tpu.memory_space<hbm>>)
    %dma_wait3A_137 = arith.constant 0 : i32
    %dma_wait3A_138 = arith.constant 0 : i32
    %dma_wait3A_139 = tpu.memref_slice %arg13[%dma_wait3A_137, %dma_wait3A_138] : memref<12288x128xf32, #tpu.memory_space<hbm>> -> memref<16x128xf32, #tpu.memory_space<hbm>>
    %dma_wait3A_140 = arith.constant 0 : i32
    %dma_wait3A_141 = arith.constant 0 : i32
    %dma_wait3A_142 = tpu.memref_slice %arg13[%dma_wait3A_140, %dma_wait3A_141] : memref<12288x128xf32, #tpu.memory_space<hbm>> -> memref<16x128xf32, #tpu.memory_space<hbm>>
    tpu.wait_dma2 semaphore(%arg35 : memref<!tpu.dma_semaphore, #tpu.memory_space<semaphore_mem>>) src(%arg30 : memref<16x128xf32, #tpu.memory_space<vmem>>) dst(%dma_wait3A_142 : memref<16x128xf32, #tpu.memory_space<hbm>>)
    %dma_wait3A_143 = arith.constant 0 : i32
    %dma_wait3A_144 = arith.constant 0 : i32
    %dma_wait3A_145 = tpu.memref_slice %arg14[%dma_wait3A_143, %dma_wait3A_144] : memref<12288x256xf32, #tpu.memory_space<hbm>> -> memref<16x256xf32, #tpu.memory_space<hbm>>
    %dma_wait3A_146 = arith.constant 0 : i32
    %dma_wait3A_147 = arith.constant 0 : i32
    %dma_wait3A_148 = tpu.memref_slice %arg14[%dma_wait3A_146, %dma_wait3A_147] : memref<12288x256xf32, #tpu.memory_space<hbm>> -> memref<16x256xf32, #tpu.memory_space<hbm>>
    tpu.wait_dma2 semaphore(%arg35 : memref<!tpu.dma_semaphore, #tpu.memory_space<semaphore_mem>>) src(%arg31 : memref<16x256xf32, #tpu.memory_space<vmem>>) dst(%dma_wait3A_148 : memref<16x256xf32, #tpu.memory_space<hbm>>)
    return
  }
}

</mosaic_0001>

<sc_bundles>
// kernel: _run.3.cloned.1.call-start
scs
__scs_entry_jumppad:
0x0: {  	(pc) =	sbr.rel $0x88, $3  }
0x1: {  	(tag) =	ssettag $0x0;
	lr =	simm.s32 $0x1  }
0x2: {  	[smem:$0x3F9C] =	sst lr;
	_ =	strace $0xD0000000  }
0x3: {  	_ = 	snop  }
0x4: {  	_ = 	snop  }
0x5: {  	_ = 	snop  }
0x6: {  	_ = 	snop  }
0x7: {  	_ = 	snop  }
__scs_overlays_trampoline_lowered:
0x8: {  	[smem:$0x3FAB] =	sst s0  }
0x9: {  	[smem:$0x3FAC] =	sst s1  }
0xa: {  	[smem:$0x3FAD] =	sst s2  }
0xb: {  	[smem:$0x3FAE] =	sst s3  }
0xc: {  	[smem:$0x3FAF] =	sst s4  }
0xd: {  	[smem:$0x3FB0] =	sst s5  }
0xe: {  	[smem:$0x3FB1] =	sst s6  }
0xf: {  	[smem:$0x3FB2] =	sst s7  }
0x10: {  	[smem:$0x3FB3] =	sst s8  }
0x11: {  	[smem:$0x3FB4] =	sst s9;
	s0 =	simm.s32 @!p0 $0x0  }
0x12: {  	s1 =	sld [smem:$0x3F9A];
	s0 =	simm.s32 @p0 $0x1  }
0x13: {  	[smem:$0x3FB5] =	sst s0;
	s0 =	simm.s32 @!p1 $0x0  }
0x14: {  	s2 =	sld [smem:$0x3F99];
	s0 =	simm.s32 @p1 $0x1  }
0x15: {  	[smem:$0x3FB6] =	sst s0;
	s0 =	simm.s32 @!p2 $0x0  }
0x16: {  	s3 =	sld [smem:$0x3FDB];
	s0 =	simm.s32 @p2 $0x1  }
0x17: {  	s4 =	simm.s32 $0x1BF5;
	[smem:$0x3FB8] =	sst s0  }
0x18: {  	s0 =	sld [smem:$0x3F9B];
	_ =	swait.ge [sflag:s4], $0x0  }
0x19: {  	s7 =	sld [smem:$0x3F9C]  }
0x1a: {  	s8 =	sadd.s32 $0xFFFFE003, lr  }
0x1b: {  	s9 =	sadd.s32 $0xFFFFFEF7, lr;
	s5 =	simm.s32 $0xFFFFFFFF;
	p2 =	slt.u32 s8, $0xFFFFF086  }
0x1c: {  	p1 =	slt.u32 s9, $0xF7A;
	s5 =	simm.s32 @!p2 $0x0  }
0x1d: {  	s5 =	simm.s32 @p1 $0x1;
	p0 =	seq.s32 s7, s2  }
0x1e: {  	s7 =	smul.u32 @!p0 $0xF7A, s2;
	p2 =	seq.s32 @!p0 s5, $0x0  }
0x1f: {  	s9 =	smul.u32 $0xF7A, s1;
	s8 =	simm.s32 @!p0 $0x1BF5;
	p2 =	por !p2, p0  }
0x20: {  	[sflag:s8] =	ssyncset.s32 @!p0 $0xFFFFF086;
	s6 =	sadd.s32 @!p0 s3, s7;
	s7 =	simm.s32 @!p0 $0x108  }
0x21: {  	s3 =	sadd.s32 s3, s9;
	s6 =	sadd.s32 @!p0 $0x88, s6;
	s7 =	simm.s32 @p2 $0x1082  }
0x22: {  	[simem:s7], [sflag:s8] =	dma.local @!p0 [hbm:s6], $0xF7A  }
0x23: {  	s9 =	sor.u32 $0xD0000000, s2;
	s6 =	simm.s32 $0x108;
	_ =	swait.ge @!p0 [sflag:s8], $0x0  }
0x24: {  	s3 =	sadd.s32 $0x88, s3;
	s6 =	simm.s32 @!p1 $0x1082;
	[sflag:s4] =	ssyncset.s32 $0xFFFFF086  }
0x25: {  	[simem:s6], [sflag:s4] =	dma.local [hbm:s3], $0xF7A  }
0x26: {  	[smem:$0x3F9C] =	sst s1;
	(tag) =	ssettag s2;
	_ =	strace s9  }
0x27: {  	s1 =	sld [smem:$0x3FAC]  }
0x28: {  	s2 =	sld [smem:$0x3FAD]  }
0x29: {  	s4 =	sld [smem:$0x3FAF]  }
0x2a: {  	p0 =	seq.s32 s5, $0x0;
	s5 =	sld [smem:$0x3FB0]  }
0x2b: {  	s6 =	sld [smem:$0x3FB1]  }
0x2c: {  	s7 =	sld [smem:$0x3FB2]  }
0x2d: {  	s3 =	simm.s32 $0x108;
	s8 =	sld [smem:$0x3FB3]  }
0x2e: {  	s3 =	simm.s32 @!p0 $0x1082;
	s9 =	sld [smem:$0x3FB4]  }
0x2f: {  	lr =	sadd.s32 s0, s3;
	s0 =	sld [smem:$0x3FAB]  }
0x30: {  	s3 =	sld [smem:$0x3FAE]  }
0x31: {  	[smem:$0x3FB7] =	sst s10  }
0x32: {  	s10 =	sld [smem:$0x3FB5];
	_ =	sdelay $0x3  }
0x33: {  	p0 =	seq.s32 s10, $0x1;
	s10 =	sld [smem:$0x3FB7];
	_ =	sdelay $0x3  }
0x34: {  	[smem:$0x3FB7] =	sst s10  }
0x35: {  	s10 =	sld [smem:$0x3FB6];
	_ =	sdelay $0x3  }
0x36: {  	p1 =	seq.s32 s10, $0x1;
	s10 =	sld [smem:$0x3FB7];
	_ =	sdelay $0x3  }
0x37: {  	[smem:$0x3FB7] =	sst s10  }
0x38: {  	s10 =	sld [smem:$0x3FB8]  }
0x39: {  	_ = 	snop;
	(pc) =	sbr.ind lr, $3  }
0x3a: {  	_ = 	snop  }
0x3b: {  	_ = 	snop  }
0x3c: {  	p2 =	seq.s32 s10, $0x1;
	s10 =	sld [smem:$0x3FB7]  }
0x3d: {  	_ =	shalt  }
0x3e: {  	_ =	shalt  }
0x3f: {  	_ =	shalt  }
0x40: {  	_ =	shalt  }
0x41: {  	_ =	shalt  }
0x42: {  	_ =	shalt  }
0x43: {  	_ =	shalt  }
0x44: {  	_ =	shalt  }
0x45: {  	_ =	shalt  }
0x46: {  	_ =	shalt  }
0x47: {  	_ =	shalt  }
0x48: {  	_ =	shalt  }
0x49: {  	_ =	shalt  }
0x4a: {  	_ =	shalt  }
0x4b: {  	_ =	shalt  }
0x4c: {  	_ =	shalt  }
0x4d: {  	_ =	shalt  }
0x4e: {  	_ =	shalt  }
0x4f: {  	_ =	shalt  }
0x50: {  	_ =	shalt  }
0x51: {  	_ =	shalt  }
0x52: {  	_ =	shalt  }
0x53: {  	_ =	shalt  }
0x54: {  	_ =	shalt  }
0x55: {  	_ =	shalt  }
0x56: {  	_ =	shalt  }
0x57: {  	_ =	shalt  }
0x58: {  	_ =	shalt  }
0x59: {  	_ =	shalt  }
0x5a: {  	_ =	shalt  }
0x5b: {  	_ =	shalt  }
0x5c: {  	_ =	shalt  }
0x5d: {  	_ =	shalt  }
0x5e: {  	_ =	shalt  }
0x5f: {  	_ =	shalt  }
0x60: {  	_ =	shalt  }
0x61: {  	_ =	shalt  }
0x62: {  	_ =	shalt  }
0x63: {  	_ =	shalt  }
0x64: {  	_ =	shalt  }
0x65: {  	_ =	shalt  }
0x66: {  	_ =	shalt  }
0x67: {  	_ =	shalt  }
0x68: {  	_ =	shalt  }
0x69: {  	_ =	shalt  }
0x6a: {  	_ =	shalt  }
0x6b: {  	_ =	shalt  }
0x6c: {  	_ =	shalt  }
0x6d: {  	_ =	shalt  }
0x6e: {  	_ =	shalt  }
0x6f: {  	_ =	shalt  }
0x70: {  	_ =	shalt  }
0x71: {  	_ =	shalt  }
0x72: {  	_ =	shalt  }
0x73: {  	_ =	shalt  }
0x74: {  	_ =	shalt  }
0x75: {  	_ =	shalt  }
0x76: {  	_ =	shalt  }
0x77: {  	_ =	shalt  }
0x78: {  	_ =	shalt  }
0x79: {  	_ =	shalt  }
0x7a: {  	_ =	shalt  }
0x7b: {  	_ =	shalt  }
0x7c: {  	_ =	shalt  }
0x7d: {  	_ =	shalt  }
0x7e: {  	_ =	shalt  }
0x7f: {  	_ =	shalt  }
0x80: {  	_ =	shalt  }
0x81: {  	_ =	shalt  }
0x82: {  	_ =	shalt  }
0x83: {  	_ =	shalt  }
0x84: {  	_ =	shalt  }
0x85: {  	_ =	shalt  }
0x86: {  	_ =	shalt  }
0x87: {  	_ =	shalt  }
.Lfunc_end0:
.L_simem_size_0:
called_computation_lowered:
.L_overlay_start_0:
0x88: {  	s2 =	sld [smem:$0x3FD9]  }
0x89: {  	s3 =	sld [smem:$0x3FFE];
	_ =	sdelay $0x1  }
0x8a: {  	s1 =	srdreg.scid  }
0x8b: {  	s0 =	sand.u32 $0x1, s1  }
0x8c: {  	s28 =	sshll.u32 s0, $0xA;
	s2 =	sadd.s32 s3, s2  }
0x8d: {  	s2 =	sadd.s32 s2, s28  }
0x8e: {  	[smem:$0x3FC3] =	sst s2  }
0x8f: {  	_ = 	snop  }
0x90: {  	s2 =	sld [smem:$0x3FC9]  }
0x91: {  	s3 =	sld [smem:$0x3FC8]  }
0x92: {  	s4 =	sld [smem:$0x3FD0]  }
0x93: {  	s5 =	sld [smem:$0x3FC7]  }
0x94: {  	s6 =	sld [smem:$0x3FC6]  }
0x95: {  	s8 =	simm.s32 $0xA;
	s9 =	simm.s32 $0x10;
	s7 =	sld [smem:$0x3FC5]  }
0x96: {  	[smem:s9], [sflag:s8] =	dma.local [hbm:s4], $0x1  }
0x97: {  	_ =	swait.eq [sflag:s8], $0x1  }
0x98: {  	s29 =	sld [smem:$0x10]  }
0x99: {  	s30 =	sld [smem:$0x11]  }
0x9a: {  	s10 =	sld [smem:$0x12]  }
0x9b: {  	s11 =	sld [smem:$0x13]  }
0x9c: {  	s12 =	sld [smem:$0x14]  }
0x9d: {  	s13 =	sld [smem:$0x15];
	[sflag:s8] =	ssyncset.done $0x0  }
0x9e: {  	s14 =	sld [smem:$0x16];
	[sflag:s8] =	ssyncadd.s32 $0xFFFFFFFF  }
0x9f: {  	s31 =	sld [smem:$0x17];
	(tm) =	ssettm $0x1  }
0xa0: {  	s15 =	sld [smem:$0x3FFB];
	_ =	sdelay $0x3  }
0xa1: {  	_ =	strace s15  }
0xa2: {  	s15 =	sld [smem:$0x3FFC];
	_ =	sdelay $0x3  }
0xa3: {  	_ =	strace s15  }
0xa4: {  	s15 =	sld [smem:$0x3FFD];
	_ =	sdelay $0x3  }
0xa5: {  	_ =	strace s15  }
0xa6: {  	_ =	strace $0x8FFFFFFF  }
0xa7: {  	s20 =	sld [smem:$0x3FDB];
	_ =	sdelay $0x1  }
0xa8: {  	s16 =	simm.s32 $_scs_section_size  }
0xa9: {  	s17 =	simm.s32 $_size__tile_overlayer_lowered;
	s18 =	simm.s32 $_tile_overlayer_lowered  }
0xaa: {  	s23 =	simm.s32 $0x1BFF;
	s22 =	sshll.u32 s18, $0x1;
	s15 =	sadd.s32 s16, s20  }
0xab: {  	s19 =	simm.s32 $0x0;
	s21 =	sshll.u32 s17, $0x1;
	s17 =	sadd.s32 s22, s15  }
0xac: {  	[timem:s19], [sflag:s23] =	dma.local [hbm:s17], s21  }
0xad: {  	_ =	swait.ge [sflag:s23], s21  }
0xae: {  	s16 =	ssub.s32 $0x0, s21;
	[sflag:s23] =	ssyncset.done $0x0  }
0xaf: {  	[sflag:s23] =	ssyncadd.s32 s16;
	_ =	sdelay $0x1  }
0xb0: {  	s24 =	simm.s32 $0x1B8B  }
0xb1: {  	_ =	swait.ge [sflag:s24], $0x1  }
0xb2: {  	[sflag:s24] =	ssyncset.done $0x0  }
0xb3: {  	s25 =	simm.s32 $0x1B8E;
	[sflag:s24] =	ssyncadd.s32 $0xFFFFFFFF  }
0xb4: {  	s26 =	simm.s32 $execute0_lowered;
	[smem:$0x3FD2] =	sst s25  }
0xb5: {  	s16 =	sshll.u32 s26, $0x1;
	_ =	strace $0x80000046;
	[dreg:$0x1] =	wrdreg $0xFFFFFFFF  }
0xb6: {  	s28 =	simm.s32 $_size_execute0_lowered;
	s15 =	sadd.s32 s15, s16;
	[dreg:$0x0] =	wrdreg $0x0  }
0xb7: {  	s16 =	sshll.u32 s28, $0x1;
	[dreg:$0x2] =	wrdreg s15  }
0xb8: {  	[dreg:$0x3] =	wrdreg s16  }
0xb9: {  	[dreg:$0x4] =	wrdreg $0xC0  }
0xba: {  	_ =	task [dreg:s19], $0x5FFFF  }
0xbb: {  	[dreg:$0x1] =	wrdreg $0xFFFFFFFF  }
0xbc: {  	[dreg:$0x0] =	wrdreg $0x60  }
0xbd: {  	[dreg:$0x2] =	wrdreg s2  }
0xbe: {  	[dreg:$0x3] =	wrdreg s3  }
0xbf: {  	[dreg:$0x4] =	wrdreg s5  }
0xc0: {  	[dreg:$0x5] =	wrdreg s6  }
0xc1: {  	[dreg:$0x6] =	wrdreg s7  }
0xc2: {  	[dreg:$0x7] =	wrdreg s29  }
0xc3: {  	[dreg:$0x8] =	wrdreg s30  }
0xc4: {  	[dreg:$0x9] =	wrdreg s10  }
0xc5: {  	[dreg:$0xa] =	wrdreg s11  }
0xc6: {  	[dreg:$0xb] =	wrdreg s12  }
0xc7: {  	[dreg:$0xc] =	wrdreg s13  }
0xc8: {  	[dreg:$0xd] =	wrdreg s14  }
0xc9: {  	[dreg:$0xe] =	wrdreg s31  }
0xca: {  	[dreg:$0xf] =	wrdreg $0x9  }
0xcb: {  	_ =	task.clear_ibuf [dreg:s19], $0x10FFFF;
	_ =	strace $0x90000046  }
0xcc: {  	s29 =	simm.s32 $0x9;
	_ =	strace $0x80000048  }
0xcd: {  	_ =	swait.ge [sflag:s29], $0x1  }
0xce: {  	[sflag:s29] =	ssyncadd.s32 $0xFFFFFFFF  }
0xcf: {  	_ =	strace $0x90000048  }
0xd0: {  	_ =	sfence  }
0xd1: {  	s30 =	sld [smem:$0x0];
	_ =	sdelay $0x2  }
0xd2: {  	s31 =	sshll.u32 s1, $0xD;
	s1 =	sshrl.u32 s1, $0x2  }
0xd3: {  	s3 =	sand.u32 $0x4000, s31;
	s1 =	sadd.s32 s1, s30  }
0xd4: {  	s0 =	sor.u32 s3, s0;
	s1 =	sshll.u32 s1, $0x11  }
0xd5: {  	s0 =	sor.u32 s1, s0  }
0xd6: {  	s0 =	sadd.s32 $0x8F2B, s0  }
0xd7: {  	[sflag:s0] =	ssyncadd.remote.s32 $0x1  }
0xd8: {  	_ =	sfence.sel $0xFFFF  }
0xd9: {  	[dreg:$0x0] =	wrdreg $0xFFFFFFFF;
	(pc) =	sbr.abs _section_cstart, $3  }
0xda: {  	[dreg:$0x1] =	wrdreg $0xFFFFFFFF  }
0xdb: {  	_ =	task.clear_ibuf [dreg:s19], $0x2FFFF;
	_ =	strace $0x9FFFFFFF  }
0xdc: {  	(tm) =	ssettm $0x7FFFFFFF  }
0xdd: {  	_ =	shalt  }
tec
execute0_lowered:
.L_overlay_start_1:
0x0: {  	(tag) =	ssettag $0x1  }
0x1: {  	s7 =	rddreg [dreg:$0x0]  }
0x2: {  	s0 =	rddreg [dreg:$0x1]  }
0x3: {  	s1 =	rddreg [dreg:$0x2]  }
0x4: {  	s3 =	rddreg [dreg:$0x4]  }
0x5: {  	s4 =	rddreg [dreg:$0x5]  }
0x6: {  	s9 =	rddreg [dreg:$0x6]  }
0x7: {  	s5 =	rddreg [dreg:$0x7];
	s22 =	stileid.u32  }
0x8: {  	s10 =	rddreg [dreg:$0x8];
	s24 =	smul.u32 $0x9000, s22  }
0x9: {  	s11 =	rddreg [dreg:$0x9];
	s25 =	smul.u32 $0x3000, s22  }
0xa: {  	s12 =	rddreg [dreg:$0xa];
	s26 =	smul.u32 $0x18000, s22  }
0xb: {  	s13 =	rddreg [dreg:$0xb];
	s30 =	smul.u32 $0x6000, s22  }
0xc: {  	s8 =	srdreg.scid;
	s23 =	sshrl.u32 s22, $0x2;
	s2 =	smul.u32 $0x300, s22  }
0xd: {  	s14 =	rddreg [dreg:$0xc];
	s15 =	sand.u32 $0x1, s8;
	s8 =	smul.u32 $0xCC00, s23  }
0xe: {  	s6 =	simm.s32 $0x0;
	s28 =	simm.s32 $0x1;
	s18 =	smul.u32 $0x4800, s15  }
0xf: {  	s16 =	sshll.u32 s22, $0x8;
	[smem:$0x7FF] =	sst s6;
	s21 =	smul.u32 $0x1800, s15  }
0x10: {  	s17 =	sshll.u32 s15, $0x7;
	_ =	strace $0x80000047;
	s29 =	smul.u32 $0xC000, s15  }
0x11: {  	s19 =	ssub.s32 $0x2, s15;
	s22 =	smul.u32 $0x3000, s15;
	s16 =	sor.u32 s17, s16  }
0x12: {  	s20 =	sshrl.u32 s19, $0x1;
	s9 =	sadd.s32 s24, s9;
	s11 =	sadd.s32 s25, s11  }
0x13: {  	s23 =	sadd.s32 s30, s5;
	s17 =	simm.s32 $0x2;
	s16 =	sand.u32 $0x380, s16  }
0x14: {  	s19 =	ssub.s32 s19, s20;
	s9 =	sadd.s32 s18, s9;
	s31 =	sadd.s32 s21, s11  }
0x15: {  	s18 =	sadd.s32 s26, s12;
	s20 =	smul.u32 $0x180, s15;
	s24 =	sadd.s32 s22, s23  }
0x16: {  	s15 =	simm.s32 $0x5980;
	s8 =	sor.u32 s8, s16;
	[dreg:$0x10] =	wrdreg s9  }
0x17: {  	s19 =	smax.u32 s19, $0x1;
	[dreg:$0x11] =	wrdreg s31;
	s16 =	sadd.s32 s25, s13  }
0x18: {  	[dreg:$0x15] =	wrdreg s24;
	s13 =	simm.s32 $0x20;
	s8 =	sshrl.u32 s8, $0x3  }
0x19: {  	[dreg:$0xf] =	wrdreg s19;
	s11 =	sadd.s32 s21, s16;
	s21 =	sadd.s32 s29, s18  }
0x1a: {  	s9 =	sadd.s32 s20, s2;
	s16 =	simm.s32 $0x9980;
	s19 =	simm.s32 $0xA180  }
0x1b: {  	s20 =	simm.s32 $0xE180;
	s18 =	simm.s32 $0x3;
	[dreg:$0x12] =	wrdreg s11  }
0x1c: {  	s7 =	sadd.s32 s7, s8;
	s8 =	sadd.s32 $0x100, s0;
	[dreg:$0x13] =	wrdreg s21  }
0x1d: {  	s25 =	sshrl.u32 s9, $0x3;
	s9 =	sor.u32 $0x10, s9;
	s21 =	simm.s32 $0xE980  }
0x1e: {  	[dreg:$0xe] =	wrdreg s7;
	s7 =	sadd.s32 s26, s10;
	s26 =	sadd.s32 s30, s14  }
0x1f: {  	s14 =	simm.s32 $0x4980;
	s7 =	sadd.s32 s29, s7;
	s11 =	sadd.s32 s22, s26  }
0x20: {  	s29 =	sshrl.u32 s9, $0x4;
	s9 =	sshrl.u32 s9, $0x3;
	[dreg:$0x14] =	wrdreg s7  }
0x21: {  	s7 =	smul.u32 $0x180, s25;
	[dreg:$0x16] =	wrdreg s11;
	s30 =	sshll.u32 s29, $0xB  }
0x22: {  	s9 =	smul.u32 $0x180, s9;
	s31 =	sshll.u32 s29, $0x9;
	s10 =	sadd.s32 s30, s10  }
.Ltmp0:
0x23: {  	s5 =	sadd.s32 s31, s5;
	[dreg:$0x18] =	wrdreg s10;
	(pc) =	sbr.rel .LBB2_1-.Ltmp0, $4  }
0x24: {  	s11 =	simm.s32 $0x30;
	s7 =	sadd.s32 s7, s4;
	[dreg:$0x1a] =	wrdreg s5  }
0x25: {  	v2 =	vlaneseq.u32;
	s4 =	sadd.s32 s9, s4;
	s9 =	simm.s32 $0x1980;
	[dreg:$0x17] =	wrdreg s7  }
0x26: {  	vm0 =	vmmov $0xffff;
	vm1 =	vmmov $0xff;
	v1 =	vshrl.u32 v2, $0x3;
	s10 =	simm.s32 $0x3180;
	s7 =	sadd.s32 s30, s12;
	[dreg:$0x1b] =	wrdreg s4  }
0x27: {  	v0 =	vand.u32 $0x7, v2;
	v2 =	vor.u32 $0x8, v2;
	v1 =	vmul.u32 $0x8, v1;
	s5 =	simm.s32 $0x0;
	s12 =	simm.s32 $0x10;
	[dreg:$0x19] =	wrdreg s7  }
.LBB2_4:
0x28: {  	_ =	swait.ge [sflag:s18], $0x1800  }
0x29: {  	[sflag:s18] =	ssyncset.done $0x0  }
0x2a: {  	[sflag:s18] =	ssyncadd.s32 $0xFFFFE800  }
0x2b: {  	_ =	swait.ge [sflag:s18], $0x1800  }
0x2c: {  	[sflag:s18] =	ssyncset.done $0x0  }
0x2d: {  	[sflag:s18] =	ssyncadd.s32 $0xFFFFE800  }
0x2e: {  	_ =	swait.ge [sflag:s18], $0x1000  }
0x2f: {  	[sflag:s18] =	ssyncset.done $0x0  }
0x30: {  	[sflag:s18] =	ssyncadd.s32 $0xFFFFF000  }
0x31: {  	_ =	swait.ge [sflag:s18], $0x4000  }
0x32: {  	[sflag:s18] =	ssyncset.done $0x0  }
0x33: {  	[sflag:s18] =	ssyncadd.s32 $0xFFFFC000  }
0x34: {  	_ =	swait.ge [sflag:s18], $0x800  }
0x35: {  	[sflag:s18] =	ssyncset.done $0x0  }
0x36: {  	[sflag:s18] =	ssyncadd.s32 $0xFFFFF800  }
0x37: {  	_ =	swait.ge [sflag:s18], $0x4000  }
0x38: {  	[sflag:s18] =	ssyncset.done $0x0  }
0x39: {  	[sflag:s18] =	ssyncadd.s32 $0xFFFFC000  }
0x3a: {  	_ =	swait.ge [sflag:s18], $0x800  }
0x3b: {  	[sflag:s18] =	ssyncset.done $0x0  }
0x3c: {  	[sflag:s18] =	ssyncadd.s32 $0xFFFFF800  }
0x3d: {  	_ =	swait.ge [sflag:s18], $0x1000  }
0x3e: {  	[sflag:s18] =	ssyncset.done $0x0  }
0x3f: {  	s2 =	simm.s32 $0x4;
	[sflag:s18] =	ssyncadd.s32 $0xFFFFF000  }
0x40: {  	_ =	swait.ge [sflag:s2], $0x1800  }
0x41: {  	[sflag:s2] =	ssyncset.done $0x0  }
0x42: {  	[sflag:s2] =	ssyncadd.s32 $0xFFFFE800  }
0x43: {  	_ =	swait.ge [sflag:s2], $0x1800  }
0x44: {  	[sflag:s2] =	ssyncset.done $0x0  }
0x45: {  	[sflag:s2] =	ssyncadd.s32 $0xFFFFE800  }
0x46: {  	_ =	swait.ge [sflag:s2], $0x1000  }
0x47: {  	[sflag:s2] =	ssyncset.done $0x0  }
0x48: {  	[sflag:s2] =	ssyncadd.s32 $0xFFFFF000  }
0x49: {  	_ =	swait.ge [sflag:s2], $0x4000  }
0x4a: {  	[sflag:s2] =	ssyncset.done $0x0  }
0x4b: {  	[sflag:s2] =	ssyncadd.s32 $0xFFFFC000  }
0x4c: {  	_ =	swait.ge [sflag:s2], $0x800  }
0x4d: {  	[sflag:s2] =	ssyncset.done $0x0  }
0x4e: {  	[sflag:s2] =	ssyncadd.s32 $0xFFFFF800  }
0x4f: {  	_ =	swait.ge [sflag:s2], $0x4000  }
0x50: {  	[sflag:s2] =	ssyncset.done $0x0  }
0x51: {  	[sflag:s2] =	ssyncadd.s32 $0xFFFFC000  }
0x52: {  	_ =	swait.ge [sflag:s2], $0x800  }
0x53: {  	[sflag:s2] =	ssyncset.done $0x0  }
0x54: {  	[sflag:s2] =	ssyncadd.s32 $0xFFFFF800  }
0x55: {  	_ =	swait.ge [sflag:s2], $0x1000  }
0x56: {  	s5 =	rddreg [dreg:$0x1c]  }
0x57: {  	s4 =	rddreg [dreg:$0xf];
	s5 =	sadd.s32 $0x1, s5  }
0x58: {  	p0 =	sne.s32 s5, s4  }
.Ltmp1:
0x59: {  	s9 =	simm.s32 $0x1980;
	(pc) =	sbr.rel @!p0 .LBB2_5-.Ltmp1, $4  }
0x5a: {  	s11 =	simm.s32 $0x30;
	s10 =	simm.s32 $0x3180;
	s13 =	simm.s32 $0x20  }
0x5b: {  	s14 =	simm.s32 $0x4980;
	s15 =	simm.s32 $0x5980;
	s12 =	simm.s32 $0x10  }
0x5c: {  	s16 =	simm.s32 $0x9980;
	s19 =	simm.s32 $0xA180;
	[sflag:s2] =	ssyncset.done $0x0  }
0x5d: {  	s20 =	simm.s32 $0xE180;
	s21 =	simm.s32 $0xE980;
	[sflag:s2] =	ssyncadd.s32 $0xFFFFF000  }
.LBB2_1:
0x5e: {  	[dreg:$0x1c] =	wrdreg s5  }
0x5f: {  	s4 =	rddreg [dreg:$0xe]  }
0x60: {  	s22 =	simm.s32 $0x80;
	s7 =	simm.s32 $0x400;
	s23 =	simm.s32 $0x5  }
0x61: {  	[tilespmem:s6], [sflag:$0x5] =	stream.strided.gather [hbm4b:s4+s22], $0x1980, s7, s22, $0x38;
	[tilespmem:$0x1D980] =	vst v63  }
0x62: {  	_ =	swait.ge [sflag:s23], $0x1980  }
0x63: {  	[sflag:s23] =	ssyncset.done $0x0  }
0x64: {  	[sflag:s23] =	ssyncadd.s32 $0xFFFFE680  }
0x65: {  	v3 =	vld [tilespmem:$0x0];
	_ =	sdelay $0x4  }
0x66: {  	v4 =	vshrl.u32 v3, $0x3  }
0x67: {  	v4 =	vmul.u32 $0x18, v4  }
0x68: {  	v3 =	vand.u32 $0x7, v3  }
0x69: {  	v3 =	vor.u32 v3, v4  }
0x6a: {  	v4 =	vperm.xlane v3, v0;
	_ =	sdelay $0x1  }
0x6b: {  	v4 =	vadd.s32 v1, v4;
	_ =	sdelay $0x1  }
0x6c: {  	v3 =	vperm.xlane v3, v2;
	_ =	sdelay $0x1  }
0x6d: {  	v3 =	vadd.s32 v1, v3  }
0x6e: {  	[tilespmem:s9], [sflag:$0x1] =	stream.indirect_vreg.gather [hbm4b:s0+s6], $0x80, v4, vm0, $0xb8;
	[tilespmem:$0x1D980] =	vst v63  }
0x6f: {  	s24 =	simm.s32 $0x2180  }
0x70: {  	[tilespmem:s24], [sflag:$0x1] =	stream.indirect_vreg.gather [hbm4b:s8+s6], $0x80, v4, vm1, $0xb8;
	[tilespmem:$0x1D980] =	vst v63  }
0x71: {  	s25 =	simm.s32 $0x2580  }
0x72: {  	[tilespmem:s25], [sflag:$0x1] =	stream.indirect_vreg.gather [hbm4b:s0+s6], $0x80, v3, vm0, $0xb8;
	[tilespmem:$0x1D980] =	vst v63  }
0x73: {  	s26 =	simm.s32 $0x2D80  }
0x74: {  	[tilespmem:s26], [sflag:$0x1] =	stream.indirect_vreg.gather [hbm4b:s8+s6], $0x80, v3, vm1, $0xb8;
	[tilespmem:$0x1D980] =	vst v63  }
0x75: {  	s29 =	simm.s32 $0x180  }
0x76: {  	[tilespmem:s10], [sflag:$0x1] =	stream.indirect.gather [hbm4b:s1+s11], $0x80, s29, s11, $0xb8;
	[tilespmem:$0x1D980] =	vst v63  }
0x77: {  	s2 =	simm.s32 $0x600;
	s22 =	rddreg [dreg:$0x3]  }
0x78: {  	[tilespmem:s14], [sflag:$0x1] =	stream.indirect.gather [hbm4b:s22+s13], $0x80, s2, s13, $0xb8;
	[tilespmem:$0x1D980] =	vst v63  }
0x79: {  	v3 =	vld [tilespmem:$0x900];
	_ =	sdelay $0x4  }
0x7a: {  	v55 =	vshll.u32 v3, $0x1  }
0x7b: {  	v3 =	vand.u32 $0x7, v3;
	v4 =	vand.u32 $0xFFFFFFF0, v55  }
0x7c: {  	v3 =	vor.u32 v3, v4  }
0x7d: {  	v4 =	vperm.xlane v3, v0;
	_ =	sdelay $0x1  }
0x7e: {  	v3 =	vperm.xlane v3, v2;
	v4 =	vadd.s32 v1, v4;
	_ =	sdelay $0x1  }
0x7f: {  	v3 =	vadd.s32 v1, v3;
	_ =	sdelay $0x2  }
0x80: {  	[tilespmem:s15], [sflag:$0x1] =	stream.indirect_vreg.gather [hbm4b:s3+s6], $0x80, v4, vm0, $0xb8;
	[tilespmem:$0x1D980] =	vst v63  }
0x81: {  	s2 =	simm.s32 $0x6180  }
0x82: {  	[tilespmem:s2], [sflag:$0x1] =	stream.indirect_vreg.gather [hbm4b:s3+s6], $0x80, v3, vm0, $0xb8;
	[tilespmem:$0x1D980] =	vst v63  }
0x83: {  	v3 =	vld [tilespmem:$0x910];
	_ =	sdelay $0x4  }
0x84: {  	v56 =	vshll.u32 v3, $0x1  }
0x85: {  	v3 =	vand.u32 $0x7, v3;
	v4 =	vand.u32 $0xFFFFFFF0, v56  }
0x86: {  	v3 =	vor.u32 v3, v4  }
0x87: {  	v4 =	vperm.xlane v3, v0;
	_ =	sdelay $0x1  }
0x88: {  	v3 =	vperm.xlane v3, v2;
	v4 =	vadd.s32 v1, v4;
	_ =	sdelay $0x1  }
0x89: {  	v3 =	vadd.s32 v1, v3;
	_ =	sdelay $0x1  }
0x8a: {  	s4 =	simm.s32 $0x6980  }
0x8b: {  	[tilespmem:s4], [sflag:$0x1] =	stream.indirect_vreg.gather [hbm4b:s3+s6], $0x80, v4, vm0, $0xb8;
	[tilespmem:$0x1D980] =	vst v63  }
0x8c: {  	s5 =	simm.s32 $0x7180  }
0x8d: {  	[tilespmem:s5], [sflag:$0x1] =	stream.indirect_vreg.gather [hbm4b:s3+s6], $0x80, v3, vm0, $0xb8;
	[tilespmem:$0x1D980] =	vst v63  }
0x8e: {  	v3 =	vld [tilespmem:$0x920];
	_ =	sdelay $0x4  }
0x8f: {  	v57 =	vshll.u32 v3, $0x1  }
0x90: {  	v3 =	vand.u32 $0x7, v3;
	v4 =	vand.u32 $0xFFFFFFF0, v57  }
0x91: {  	v3 =	vor.u32 v3, v4  }
0x92: {  	v4 =	vperm.xlane v3, v0;
	_ =	sdelay $0x1  }
0x93: {  	v3 =	vperm.xlane v3, v2;
	v4 =	vadd.s32 v1, v4;
	_ =	sdelay $0x1  }
0x94: {  	v3 =	vadd.s32 v1, v3;
	_ =	sdelay $0x1  }
0x95: {  	s7 =	simm.s32 $0x7980  }
0x96: {  	[tilespmem:s7], [sflag:$0x1] =	stream.indirect_vreg.gather [hbm4b:s3+s6], $0x80, v4, vm0, $0xb8;
	[tilespmem:$0x1D980] =	vst v63  }
0x97: {  	s23 =	simm.s32 $0x8180  }
0x98: {  	[tilespmem:s23], [sflag:$0x1] =	stream.indirect_vreg.gather [hbm4b:s3+s6], $0x80, v3, vm0, $0xb8;
	[tilespmem:$0x1D980] =	vst v63  }
0x99: {  	v3 =	vld [tilespmem:$0x930];
	_ =	sdelay $0x4  }
0x9a: {  	v58 =	vshll.u32 v3, $0x1  }
0x9b: {  	v3 =	vand.u32 $0x7, v3;
	v4 =	vand.u32 $0xFFFFFFF0, v58  }
0x9c: {  	v3 =	vor.u32 v3, v4  }
0x9d: {  	v4 =	vperm.xlane v3, v0;
	_ =	sdelay $0x1  }
0x9e: {  	v3 =	vperm.xlane v3, v2;
	v4 =	vadd.s32 v1, v4;
	_ =	sdelay $0x1  }
0x9f: {  	v3 =	vadd.s32 v1, v3;
	_ =	sdelay $0x1  }
0xa0: {  	s24 =	simm.s32 $0x8980  }
0xa1: {  	[tilespmem:s24], [sflag:$0x1] =	stream.indirect_vreg.gather [hbm4b:s3+s6], $0x80, v4, vm0, $0xb8;
	[tilespmem:$0x1D980] =	vst v63  }
0xa2: {  	s25 =	simm.s32 $0x9180  }
0xa3: {  	[tilespmem:s25], [sflag:$0x1] =	stream.indirect_vreg.gather [hbm4b:s3+s6], $0x80, v3, vm0, $0xb8;
	[tilespmem:$0x1D980] =	vst v63  }
0xa4: {  	s26 =	simm.s32 $0xF00  }
0xa5: {  	[tilespmem:s16], [sflag:$0x1] =	stream.indirect.gather [hbm4b:s1+s12], $0x80, s26, s12, $0xb8;
	[tilespmem:$0x1D980] =	vst v63  }
0xa6: {  	v3 =	vld [tilespmem:$0x1080];
	_ =	sdelay $0x4  }
0xa7: {  	v59 =	vshll.u32 v3, $0x1  }
0xa8: {  	v3 =	vand.u32 $0x7, v3;
	v4 =	vand.u32 $0xFFFFFFF0, v59  }
0xa9: {  	v3 =	vor.u32 v3, v4  }
0xaa: {  	v4 =	vperm.xlane v3, v0;
	_ =	sdelay $0x1  }
0xab: {  	v3 =	vperm.xlane v3, v2;
	v4 =	vadd.s32 v1, v4;
	_ =	sdelay $0x1  }
0xac: {  	v3 =	vadd.s32 v1, v3;
	_ =	sdelay $0x2  }
0xad: {  	[tilespmem:s19], [sflag:$0x1] =	stream.indirect_vreg.gather [hbm4b:s3+s6], $0x80, v4, vm0, $0xb8;
	[tilespmem:$0x1D980] =	vst v63  }
0xae: {  	s29 =	simm.s32 $0xA980  }
0xaf: {  	[tilespmem:s29], [sflag:$0x1] =	stream.indirect_vreg.gather [hbm4b:s3+s6], $0x80, v3, vm0, $0xb8;
	[tilespmem:$0x1D980] =	vst v63  }
0xb0: {  	v3 =	vld [tilespmem:$0x1090];
	_ =	sdelay $0x4  }
0xb1: {  	v60 =	vshll.u32 v3, $0x1  }
0xb2: {  	v3 =	vand.u32 $0x7, v3;
	v4 =	vand.u32 $0xFFFFFFF0, v60  }
0xb3: {  	v3 =	vor.u32 v3, v4  }
0xb4: {  	v4 =	vperm.xlane v3, v0;
	_ =	sdelay $0x1  }
0xb5: {  	v3 =	vperm.xlane v3, v2;
	v4 =	vadd.s32 v1, v4;
	_ =	sdelay $0x1  }
0xb6: {  	v3 =	vadd.s32 v1, v3;
	_ =	sdelay $0x1  }
0xb7: {  	s4 =	simm.s32 $0xB180  }
0xb8: {  	[tilespmem:s4], [sflag:$0x1] =	stream.indirect_vreg.gather [hbm4b:s3+s6], $0x80, v4, vm0, $0xb8;
	[tilespmem:$0x1D980] =	vst v63  }
0xb9: {  	s5 =	simm.s32 $0xB980  }
0xba: {  	[tilespmem:s5], [sflag:$0x1] =	stream.indirect_vreg.gather [hbm4b:s3+s6], $0x80, v3, vm0, $0xb8;
	[tilespmem:$0x1D980] =	vst v63  }
0xbb: {  	v3 =	vld [tilespmem:$0x10A0];
	_ =	sdelay $0x4  }
0xbc: {  	v61 =	vshll.u32 v3, $0x1  }
0xbd: {  	v3 =	vand.u32 $0x7, v3;
	v4 =	vand.u32 $0xFFFFFFF0, v61  }
0xbe: {  	v3 =	vor.u32 v3, v4  }
0xbf: {  	v4 =	vperm.xlane v3, v0;
	_ =	sdelay $0x1  }
0xc0: {  	v3 =	vperm.xlane v3, v2;
	v4 =	vadd.s32 v1, v4;
	_ =	sdelay $0x1  }
0xc1: {  	v3 =	vadd.s32 v1, v3;
	_ =	sdelay $0x1  }
0xc2: {  	s7 =	simm.s32 $0xC180  }
0xc3: {  	[tilespmem:s7], [sflag:$0x1] =	stream.indirect_vreg.gather [hbm4b:s3+s6], $0x80, v4, vm0, $0xb8;
	[tilespmem:$0x1D980] =	vst v63  }
0xc4: {  	s23 =	simm.s32 $0xC980  }
0xc5: {  	[tilespmem:s23], [sflag:$0x1] =	stream.indirect_vreg.gather [hbm4b:s3+s6], $0x80, v3, vm0, $0xb8;
	[tilespmem:$0x1D980] =	vst v63  }
0xc6: {  	v3 =	vld [tilespmem:$0x10B0];
	_ =	sdelay $0x4  }
0xc7: {  	v62 =	vshll.u32 v3, $0x1  }
0xc8: {  	v3 =	vand.u32 $0x7, v3;
	v4 =	vand.u32 $0xFFFFFFF0, v62  }
0xc9: {  	v3 =	vor.u32 v3, v4  }
0xca: {  	v4 =	vperm.xlane v3, v0;
	_ =	sdelay $0x1  }
0xcb: {  	v3 =	vperm.xlane v3, v2;
	v4 =	vadd.s32 v1, v4;
	_ =	sdelay $0x1  }
0xcc: {  	v3 =	vadd.s32 v1, v3;
	_ =	sdelay $0x1  }
0xcd: {  	s24 =	simm.s32 $0xD180  }
0xce: {  	[tilespmem:s24], [sflag:$0x1] =	stream.indirect_vreg.gather [hbm4b:s3+s6], $0x80, v4, vm0, $0xb8;
	[tilespmem:$0x1D980] =	vst v63  }
0xcf: {  	s25 =	simm.s32 $0xD980  }
0xd0: {  	[tilespmem:s25], [sflag:$0x1] =	stream.indirect_vreg.gather [hbm4b:s3+s6], $0x80, v3, vm0, $0xb8;
	[tilespmem:$0x1D980] =	vst v63  }
0xd1: {  	s26 =	simm.s32 $0x1680  }
0xd2: {  	[tilespmem:s20], [sflag:$0x1] =	stream.indirect.gather [hbm4b:s22+s12], $0x80, s26, s12, $0xb8;
	[tilespmem:$0x1D980] =	vst v63  }
0xd3: {  	v3 =	vld [tilespmem:$0x1800];
	_ =	sdelay $0x4  }
0xd4: {  	v63 =	vshll.u32 v3, $0x1  }
0xd5: {  	v3 =	vand.u32 $0x7, v3;
	v4 =	vand.u32 $0xFFFFFFF0, v63  }
0xd6: {  	v3 =	vor.u32 v3, v4  }
0xd7: {  	v4 =	vperm.xlane v3, v0;
	_ =	sdelay $0x1  }
0xd8: {  	v3 =	vperm.xlane v3, v2;
	v4 =	vadd.s32 v1, v4;
	_ =	sdelay $0x1  }
0xd9: {  	v3 =	vadd.s32 v1, v3  }
0xda: {  	s31 =	simm.s32 $0xFFFFF500;
	s30 =	simm.s32 $0x0  }
0xdb: {  	s2 =	simm.s32 $0x0;
	s29 =	simm.s32 $0xF180;
	s4 =	simm.s32 $0x0  }
0xdc: {  	[tilespmem:s21], [sflag:$0x1] =	stream.indirect_vreg.gather [hbm4b:s3+s6], $0x80, v4, vm0, $0xb8;
	[tilespmem:$0x1D980] =	vst v63  }
0xdd: {  	s5 =	simm.s32 $0x0;
	s25 =	simm.s32 $0x0;
	s12 =	simm.s32 $0xFFFFEF80  }
0xde: {  	[tilespmem:s29], [sflag:$0x1] =	stream.indirect_vreg.gather [hbm4b:s3+s6], $0x80, v3, vm0, $0xb8;
	[tilespmem:$0x1D980] =	vst v63  }
.LBB2_2:
0xdf: {  	_ =	swait.ge [sflag:s28], $0x1800  }
0xe0: {  	[sflag:s28] =	ssyncset.done $0x0  }
0xe1: {  	[sflag:s28] =	ssyncadd.s32 $0xFFFFE800  }
0xe2: {  	_ =	swait.ge [sflag:s28], $0x1800  }
0xe3: {  	[sflag:s28] =	ssyncset.done $0x0  }
0xe4: {  	[sflag:s28] =	ssyncadd.s32 $0xFFFFE800  }
0xe5: {  	_ =	swait.ge [sflag:s28], $0x1000  }
0xe6: {  	[sflag:s28] =	ssyncset.done $0x0  }
0xe7: {  	[sflag:s28] =	ssyncadd.s32 $0xFFFFF000  }
0xe8: {  	_ =	swait.ge [sflag:s28], $0x4000  }
0xe9: {  	[sflag:s28] =	ssyncset.done $0x0  }
0xea: {  	[sflag:s28] =	ssyncadd.s32 $0xFFFFC000  }
0xeb: {  	_ =	swait.ge [sflag:s28], $0x800  }
0xec: {  	[sflag:s28] =	ssyncset.done $0x0  }
0xed: {  	[sflag:s28] =	ssyncadd.s32 $0xFFFFF800  }
0xee: {  	_ =	swait.ge [sflag:s28], $0x4000  }
0xef: {  	[sflag:s28] =	ssyncset.done $0x0  }
0xf0: {  	[sflag:s28] =	ssyncadd.s32 $0xFFFFC000  }
0xf1: {  	_ =	swait.ge [sflag:s28], $0x800  }
0xf2: {  	[sflag:s28] =	ssyncset.done $0x0  }
0xf3: {  	[sflag:s28] =	ssyncadd.s32 $0xFFFFF800  }
0xf4: {  	_ =	swait.ge [sflag:s28], $0x1000  }
0xf5: {  	[sflag:s28] =	ssyncset.done $0x0;
	s7 =	rddreg [dreg:$0x17]  }
0xf6: {  	[sflag:s28] =	ssyncadd.s32 $0xFFFFF000;
	s7 =	sadd.s32 s5, s7  }
0xf7: {  	[hbm4b:s7+s6] =	stream.linear.scatter [tilespmem:s9], [sflag:$0x3], $0x1800, $0x38;
	[tilespmem:$0x1D980] =	vst v63  }
0xf8: {  	s9 =	rddreg [dreg:$0x10]  }
0xf9: {  	s9 =	sadd.s32 s5, s9  }
0xfa: {  	[hbm4b:s9+s6] =	stream.linear.scatter [tilespmem:s10], [sflag:$0x3], $0x1800, $0x38;
	[tilespmem:$0x1D980] =	vst v63  }
0xfb: {  	s10 =	rddreg [dreg:$0x15]  }
0xfc: {  	s7 =	sadd.s32 s25, s10  }
0xfd: {  	[hbm4b:s7+s6] =	stream.linear.scatter [tilespmem:s14], [sflag:$0x3], $0x1000, $0x38;
	[tilespmem:$0x1D980] =	vst v63  }
0xfe: {  	s14 =	rddreg [dreg:$0x14]  }
0xff: {  	s23 =	rddreg [dreg:$0x11];
	s7 =	sadd.s32 s30, s14  }
0x100: {  	[hbm4b:s7+s6] =	stream.linear.scatter [tilespmem:s15], [sflag:$0x3], $0x4000, $0x38;
	[tilespmem:$0x1D980] =	vst v63  }
0x101: {  	s24 =	rddreg [dreg:$0x13];
	s29 =	sadd.s32 s4, s23  }
0x102: {  	[hbm4b:s29+s6] =	stream.linear.scatter [tilespmem:s16], [sflag:$0x3], $0x800, $0x38;
	[tilespmem:$0x1D980] =	vst v63  }
0x103: {  	s26 =	rddreg [dreg:$0x12];
	s7 =	sadd.s32 s30, s24  }
0x104: {  	[hbm4b:s7+s6] =	stream.linear.scatter [tilespmem:s19], [sflag:$0x3], $0x4000, $0x38;
	[tilespmem:$0x1D980] =	vst v63  }
0x105: {  	p0 =	seq.s32 s4, $0x0;
	s10 =	rddreg [dreg:$0x16];
	s24 =	sadd.s32 s4, s26  }
0x106: {  	[hbm4b:s24+s6] =	stream.linear.scatter [tilespmem:s20], [sflag:$0x3], $0x800, $0x38;
	[tilespmem:$0x1D980] =	vst v63  }
0x107: {  	s26 =	sadd.s32 s25, s10;
	s7 =	simm.s32 @!p0 $0x4  }
0x108: {  	[hbm4b:s26+s6] =	stream.linear.scatter [tilespmem:s21], [sflag:$0x3], $0x1000, $0x38;
	[tilespmem:$0x1D980] =	vst v63  }
0x109: {  	_ =	swait.ge @!p0 [sflag:s7], $0x1800  }
0x10a: {  	[sflag:s7] =	ssyncset.done @!p0 $0x0  }
0x10b: {  	[sflag:s7] =	ssyncadd.s32 @!p0 $0xFFFFE800  }
0x10c: {  	_ =	swait.ge @!p0 [sflag:s7], $0x1800  }
0x10d: {  	[sflag:s7] =	ssyncset.done @!p0 $0x0  }
0x10e: {  	[sflag:s7] =	ssyncadd.s32 @!p0 $0xFFFFE800  }
0x10f: {  	_ =	swait.ge @!p0 [sflag:s7], $0x1000  }
0x110: {  	[sflag:s7] =	ssyncset.done @!p0 $0x0  }
0x111: {  	[sflag:s7] =	ssyncadd.s32 @!p0 $0xFFFFF000  }
0x112: {  	_ =	swait.ge @!p0 [sflag:s7], $0x4000  }
0x113: {  	[sflag:s7] =	ssyncset.done @!p0 $0x0  }
0x114: {  	[sflag:s7] =	ssyncadd.s32 @!p0 $0xFFFFC000  }
0x115: {  	_ =	swait.ge @!p0 [sflag:s7], $0x800  }
0x116: {  	[sflag:s7] =	ssyncset.done @!p0 $0x0  }
0x117: {  	[sflag:s7] =	ssyncadd.s32 @!p0 $0xFFFFF800  }
0x118: {  	_ =	swait.ge @!p0 [sflag:s7], $0x4000  }
0x119: {  	[sflag:s7] =	ssyncset.done @!p0 $0x0  }
0x11a: {  	[sflag:s7] =	ssyncadd.s32 @!p0 $0xFFFFC000  }
0x11b: {  	_ =	swait.ge @!p0 [sflag:s7], $0x800  }
0x11c: {  	[sflag:s7] =	ssyncset.done @!p0 $0x0  }
0x11d: {  	[sflag:s7] =	ssyncadd.s32 @!p0 $0xFFFFF800  }
0x11e: {  	_ =	swait.ge @!p0 [sflag:s7], $0x1000  }
0x11f: {  	[sflag:s7] =	ssyncset.done @!p0 $0x0  }
0x120: {  	s23 =	sshra.s32 s2, $0x2;
	[sflag:s7] =	ssyncadd.s32 @!p0 $0xFFFFF000  }
0x121: {  	v3 =	vld [tilespmem:s23+$0x10];
	_ =	sdelay $0x4  }
0x122: {  	v4 =	vshrl.u32 v3, $0x3  }
0x123: {  	v4 =	vmul.u32 $0x18, v4  }
0x124: {  	v3 =	vand.u32 $0x7, v3  }
0x125: {  	v3 =	vor.u32 v3, v4  }
0x126: {  	v4 =	vperm.xlane v3, v0;
	_ =	sdelay $0x1  }
0x127: {  	v4 =	vadd.s32 v1, v4;
	_ =	sdelay $0x1  }
0x128: {  	v3 =	vperm.xlane v3, v2;
	_ =	sdelay $0x1  }
0x129: {  	s14 =	simm.s32 $0xF980;
	v3 =	vadd.s32 v1, v3  }
0x12a: {  	[tilespmem:s14], [sflag:$0x2] =	stream.indirect_vreg.gather [hbm4b:s0+s6], $0x80, v4, vm0, $0xb8;
	[tilespmem:$0x1D980] =	vst v63  }
0x12b: {  	s15 =	simm.s32 $0x10180  }
0x12c: {  	[tilespmem:s15], [sflag:$0x2] =	stream.indirect_vreg.gather [hbm4b:s8+s6], $0x80, v4, vm1, $0xb8;
	[tilespmem:$0x1D980] =	vst v63  }
0x12d: {  	s16 =	simm.s32 $0x10580  }
0x12e: {  	[tilespmem:s16], [sflag:$0x2] =	stream.indirect_vreg.gather [hbm4b:s0+s6], $0x80, v3, vm0, $0xb8;
	[tilespmem:$0x1D980] =	vst v63  }
0x12f: {  	s10 =	sshra.s32 s31, $0x2;
	s19 =	simm.s32 $0x10D80;
	s7 =	sshra.s32 s12, $0x2  }
0x130: {  	[tilespmem:s19], [sflag:$0x2] =	stream.indirect_vreg.gather [hbm4b:s8+s6], $0x80, v3, vm1, $0xb8;
	[tilespmem:$0x1D980] =	vst v63  }
0x131: {  	s21 =	simm.s32 $0x11180;
	s20 =	sadd.s32 $0x5D0, s7;
	s16 =	smov.u32 s12  }
0x132: {  	[tilespmem:s21], [sflag:$0x2] =	stream.indirect.gather [hbm4b:s1+s11], $0x80, s20, s11, $0xb8;
	[tilespmem:$0x1D980] =	vst v63  }
0x133: {  	s12 =	smov.u32 s31;
	s31 =	sadd.s32 $0x8E0, s10;
	s11 =	simm.s32 $0x12980  }
0x134: {  	[tilespmem:s11], [sflag:$0x2] =	stream.indirect.gather [hbm4b:s22+s13], $0x80, s31, s13, $0xb8;
	[tilespmem:$0x1D980] =	vst v63  }
0x135: {  	s31 =	sshra.s32 s4, $0x2  }
0x136: {  	v3 =	vld [tilespmem:s31+$0x940];
	_ =	sdelay $0x4  }
0x137: {  	v55 =	vshll.u32 v3, $0x1  }
0x138: {  	v3 =	vand.u32 $0x7, v3;
	v4 =	vand.u32 $0xFFFFFFF0, v55  }
0x139: {  	v3 =	vor.u32 v3, v4  }
0x13a: {  	v4 =	vperm.xlane v3, v0;
	_ =	sdelay $0x1  }
0x13b: {  	v3 =	vperm.xlane v3, v2;
	v4 =	vadd.s32 v1, v4;
	_ =	sdelay $0x1  }
0x13c: {  	v3 =	vadd.s32 v1, v3;
	_ =	sdelay $0x1  }
0x13d: {  	s14 =	simm.s32 $0x13980  }
0x13e: {  	[tilespmem:s14], [sflag:$0x2] =	stream.indirect_vreg.gather [hbm4b:s3+s6], $0x80, v4, vm0, $0xb8;
	[tilespmem:$0x1D980] =	vst v63  }
0x13f: {  	s15 =	simm.s32 $0x14180  }
0x140: {  	[tilespmem:s15], [sflag:$0x2] =	stream.indirect_vreg.gather [hbm4b:s3+s6], $0x80, v3, vm0, $0xb8;
	[tilespmem:$0x1D980] =	vst v63  }
0x141: {  	v3 =	vld [tilespmem:s31+$0x950];
	_ =	sdelay $0x4  }
0x142: {  	v56 =	vshll.u32 v3, $0x1  }
0x143: {  	v3 =	vand.u32 $0x7, v3;
	v4 =	vand.u32 $0xFFFFFFF0, v56  }
0x144: {  	v3 =	vor.u32 v3, v4  }
0x145: {  	v4 =	vperm.xlane v3, v0;
	_ =	sdelay $0x1  }
0x146: {  	v3 =	vperm.xlane v3, v2;
	v4 =	vadd.s32 v1, v4;
	_ =	sdelay $0x1  }
0x147: {  	v3 =	vadd.s32 v1, v3;
	_ =	sdelay $0x1  }
0x148: {  	s19 =	simm.s32 $0x14980  }
0x149: {  	[tilespmem:s19], [sflag:$0x2] =	stream.indirect_vreg.gather [hbm4b:s3+s6], $0x80, v4, vm0, $0xb8;
	[tilespmem:$0x1D980] =	vst v63  }
0x14a: {  	s20 =	simm.s32 $0x15180  }
0x14b: {  	[tilespmem:s20], [sflag:$0x2] =	stream.indirect_vreg.gather [hbm4b:s3+s6], $0x80, v3, vm0, $0xb8;
	[tilespmem:$0x1D980] =	vst v63  }
0x14c: {  	v3 =	vld [tilespmem:s31+$0x960];
	_ =	sdelay $0x4  }
0x14d: {  	v57 =	vshll.u32 v3, $0x1  }
0x14e: {  	v3 =	vand.u32 $0x7, v3;
	v4 =	vand.u32 $0xFFFFFFF0, v57  }
0x14f: {  	v3 =	vor.u32 v3, v4  }
0x150: {  	v4 =	vperm.xlane v3, v0;
	_ =	sdelay $0x1  }
0x151: {  	v3 =	vperm.xlane v3, v2;
	v4 =	vadd.s32 v1, v4;
	_ =	sdelay $0x1  }
0x152: {  	v3 =	vadd.s32 v1, v3;
	_ =	sdelay $0x1  }
0x153: {  	s21 =	simm.s32 $0x15980  }
0x154: {  	[tilespmem:s21], [sflag:$0x2] =	stream.indirect_vreg.gather [hbm4b:s3+s6], $0x80, v4, vm0, $0xb8;
	[tilespmem:$0x1D980] =	vst v63  }
0x155: {  	s11 =	simm.s32 $0x16180  }
0x156: {  	[tilespmem:s11], [sflag:$0x2] =	stream.indirect_vreg.gather [hbm4b:s3+s6], $0x80, v3, vm0, $0xb8;
	[tilespmem:$0x1D980] =	vst v63  }
0x157: {  	v3 =	vld [tilespmem:s31+$0x970];
	_ =	sdelay $0x4  }
0x158: {  	v58 =	vshll.u32 v3, $0x1  }
0x159: {  	v3 =	vand.u32 $0x7, v3;
	v4 =	vand.u32 $0xFFFFFFF0, v58  }
0x15a: {  	v3 =	vor.u32 v3, v4  }
0x15b: {  	v4 =	vperm.xlane v3, v0;
	_ =	sdelay $0x1  }
0x15c: {  	v3 =	vperm.xlane v3, v2;
	v4 =	vadd.s32 v1, v4;
	_ =	sdelay $0x1  }
0x15d: {  	v3 =	vadd.s32 v1, v3;
	_ =	sdelay $0x1  }
0x15e: {  	s13 =	simm.s32 $0x16980  }
0x15f: {  	[tilespmem:s13], [sflag:$0x2] =	stream.indirect_vreg.gather [hbm4b:s3+s6], $0x80, v4, vm0, $0xb8;
	[tilespmem:$0x1D980] =	vst v63  }
0x160: {  	s14 =	simm.s32 $0x17180  }
0x161: {  	[tilespmem:s14], [sflag:$0x2] =	stream.indirect_vreg.gather [hbm4b:s3+s6], $0x80, v3, vm0, $0xb8;
	[tilespmem:$0x1D980] =	vst v63  }
0x162: {  	s15 =	sadd.s32 $0xF10, s23;
	s19 =	simm.s32 $0x17980;
	s20 =	simm.s32 $0x10  }
0x163: {  	[tilespmem:s19], [sflag:$0x2] =	stream.indirect.gather [hbm4b:s1+s20], $0x80, s15, s20, $0xb8;
	[tilespmem:$0x1D980] =	vst v63  }
0x164: {  	v3 =	vld [tilespmem:s31+$0x10C0];
	_ =	sdelay $0x4  }
0x165: {  	v59 =	vshll.u32 v3, $0x1  }
0x166: {  	v3 =	vand.u32 $0x7, v3;
	v4 =	vand.u32 $0xFFFFFFF0, v59  }
0x167: {  	v3 =	vor.u32 v3, v4  }
0x168: {  	v4 =	vperm.xlane v3, v0;
	_ =	sdelay $0x1  }
0x169: {  	v3 =	vperm.xlane v3, v2;
	v4 =	vadd.s32 v1, v4;
	_ =	sdelay $0x1  }
0x16a: {  	v3 =	vadd.s32 v1, v3;
	_ =	sdelay $0x1  }
0x16b: {  	[dreg:$0x1d] =	wrdreg s2;
	s2 =	simm.s32 $0x18180  }
0x16c: {  	[tilespmem:s2], [sflag:$0x2] =	stream.indirect_vreg.gather [hbm4b:s3+s6], $0x80, v4, vm0, $0xb8;
	[tilespmem:$0x1D980] =	vst v63  }
0x16d: {  	s21 =	simm.s32 $0x18980  }
0x16e: {  	[tilespmem:s21], [sflag:$0x2] =	stream.indirect_vreg.gather [hbm4b:s3+s6], $0x80, v3, vm0, $0xb8;
	[tilespmem:$0x1D980] =	vst v63  }
0x16f: {  	v3 =	vld [tilespmem:s31+$0x10D0];
	_ =	sdelay $0x4  }
0x170: {  	v60 =	vshll.u32 v3, $0x1  }
0x171: {  	v3 =	vand.u32 $0x7, v3;
	v4 =	vand.u32 $0xFFFFFFF0, v60  }
0x172: {  	v3 =	vor.u32 v3, v4  }
0x173: {  	v4 =	vperm.xlane v3, v0;
	_ =	sdelay $0x1  }
0x174: {  	v3 =	vperm.xlane v3, v2;
	v4 =	vadd.s32 v1, v4;
	_ =	sdelay $0x1  }
0x175: {  	v3 =	vadd.s32 v1, v3;
	_ =	sdelay $0x1  }
0x176: {  	s15 =	simm.s32 $0x19180  }
0x177: {  	[tilespmem:s15], [sflag:$0x2] =	stream.indirect_vreg.gather [hbm4b:s3+s6], $0x80, v4, vm0, $0xb8;
	[tilespmem:$0x1D980] =	vst v63  }
0x178: {  	s21 =	simm.s32 $0x19980  }
0x179: {  	[tilespmem:s21], [sflag:$0x2] =	stream.indirect_vreg.gather [hbm4b:s3+s6], $0x80, v3, vm0, $0xb8;
	[tilespmem:$0x1D980] =	vst v63  }
0x17a: {  	v3 =	vld [tilespmem:s31+$0x10E0];
	_ =	sdelay $0x4  }
0x17b: {  	v61 =	vshll.u32 v3, $0x1  }
0x17c: {  	v3 =	vand.u32 $0x7, v3;
	v4 =	vand.u32 $0xFFFFFFF0, v61  }
0x17d: {  	v3 =	vor.u32 v3, v4  }
0x17e: {  	v4 =	vperm.xlane v3, v0;
	_ =	sdelay $0x1  }
0x17f: {  	v3 =	vperm.xlane v3, v2;
	v4 =	vadd.s32 v1, v4;
	_ =	sdelay $0x1  }
0x180: {  	v3 =	vadd.s32 v1, v3;
	_ =	sdelay $0x1  }
0x181: {  	s15 =	simm.s32 $0x1A180  }
0x182: {  	[tilespmem:s15], [sflag:$0x2] =	stream.indirect_vreg.gather [hbm4b:s3+s6], $0x80, v4, vm0, $0xb8;
	[tilespmem:$0x1D980] =	vst v63  }
0x183: {  	s21 =	simm.s32 $0x1A980  }
0x184: {  	[tilespmem:s21], [sflag:$0x2] =	stream.indirect_vreg.gather [hbm4b:s3+s6], $0x80, v3, vm0, $0xb8;
	[tilespmem:$0x1D980] =	vst v63  }
0x185: {  	v3 =	vld [tilespmem:s31+$0x10F0];
	_ =	sdelay $0x4  }
0x186: {  	v62 =	vshll.u32 v3, $0x1  }
0x187: {  	v3 =	vand.u32 $0x7, v3;
	v4 =	vand.u32 $0xFFFFFFF0, v62  }
0x188: {  	v3 =	vor.u32 v3, v4  }
0x189: {  	v4 =	vperm.xlane v3, v0;
	_ =	sdelay $0x1  }
0x18a: {  	v3 =	vperm.xlane v3, v2;
	v4 =	vadd.s32 v1, v4;
	_ =	sdelay $0x1  }
0x18b: {  	v3 =	vadd.s32 v1, v3;
	_ =	sdelay $0x1  }
0x18c: {  	s15 =	simm.s32 $0x1B180  }
0x18d: {  	[tilespmem:s15], [sflag:$0x2] =	stream.indirect_vreg.gather [hbm4b:s3+s6], $0x80, v4, vm0, $0xb8;
	[tilespmem:$0x1D980] =	vst v63  }
0x18e: {  	s21 =	simm.s32 $0x1B980  }
0x18f: {  	[tilespmem:s21], [sflag:$0x2] =	stream.indirect_vreg.gather [hbm4b:s3+s6], $0x80, v3, vm0, $0xb8;
	[tilespmem:$0x1D980] =	vst v63  }
0x190: {  	s15 =	sadd.s32 $0x1690, s23;
	s21 =	simm.s32 $0x1C180  }
0x191: {  	[tilespmem:s21], [sflag:$0x2] =	stream.indirect.gather [hbm4b:s22+s20], $0x80, s15, s20, $0xb8;
	[tilespmem:$0x1D980] =	vst v63  }
0x192: {  	v3 =	vld [tilespmem:s23+$0x1810];
	_ =	sdelay $0x4  }
0x193: {  	v63 =	vshll.u32 v3, $0x1  }
0x194: {  	v3 =	vand.u32 $0x7, v3;
	v4 =	vand.u32 $0xFFFFFFF0, v63  }
0x195: {  	v3 =	vor.u32 v3, v4  }
0x196: {  	v4 =	vperm.xlane v3, v0;
	_ =	sdelay $0x1  }
0x197: {  	v3 =	vperm.xlane v3, v2;
	v4 =	vadd.s32 v1, v4;
	_ =	sdelay $0x1  }
0x198: {  	v3 =	vadd.s32 v1, v3;
	_ =	sdelay $0x1  }
0x199: {  	s20 =	simm.s32 $0x1C980  }
0x19a: {  	[tilespmem:s20], [sflag:$0x2] =	stream.indirect_vreg.gather [hbm4b:s3+s6], $0x80, v4, vm0, $0xb8;
	[tilespmem:$0x1D980] =	vst v63  }
0x19b: {  	s15 =	simm.s32 $0x1D180  }
0x19c: {  	[tilespmem:s15], [sflag:$0x2] =	stream.indirect_vreg.gather [hbm4b:s3+s6], $0x80, v3, vm0, $0xb8;
	[tilespmem:$0x1D980] =	vst v63  }
0x19d: {  	_ =	swait.ge [sflag:s17], $0x1800  }
0x19e: {  	[sflag:s17] =	ssyncset.done $0x0  }
0x19f: {  	[sflag:s17] =	ssyncadd.s32 $0xFFFFE800  }
0x1a0: {  	_ =	swait.ge [sflag:s17], $0x1800  }
0x1a1: {  	[sflag:s17] =	ssyncset.done $0x0  }
0x1a2: {  	[sflag:s17] =	ssyncadd.s32 $0xFFFFE800  }
0x1a3: {  	_ =	swait.ge [sflag:s17], $0x1000  }
0x1a4: {  	[sflag:s17] =	ssyncset.done $0x0  }
0x1a5: {  	[sflag:s17] =	ssyncadd.s32 $0xFFFFF000  }
0x1a6: {  	_ =	swait.ge [sflag:s17], $0x4000  }
0x1a7: {  	[sflag:s17] =	ssyncset.done $0x0  }
0x1a8: {  	[sflag:s17] =	ssyncadd.s32 $0xFFFFC000  }
0x1a9: {  	_ =	swait.ge [sflag:s17], $0x800  }
0x1aa: {  	[sflag:s17] =	ssyncset.done $0x0  }
0x1ab: {  	[sflag:s17] =	ssyncadd.s32 $0xFFFFF800  }
0x1ac: {  	_ =	swait.ge [sflag:s17], $0x4000  }
0x1ad: {  	[sflag:s17] =	ssyncset.done $0x0  }
0x1ae: {  	[sflag:s17] =	ssyncadd.s32 $0xFFFFC000  }
0x1af: {  	_ =	swait.ge [sflag:s17], $0x800  }
0x1b0: {  	[sflag:s17] =	ssyncset.done $0x0  }
0x1b1: {  	[sflag:s17] =	ssyncadd.s32 $0xFFFFF800  }
0x1b2: {  	_ =	swait.ge [sflag:s17], $0x1000  }
0x1b3: {  	[sflag:s17] =	ssyncset.done $0x0;
	s15 =	rddreg [dreg:$0x1b]  }
0x1b4: {  	[sflag:s17] =	ssyncadd.s32 $0xFFFFF000;
	s11 =	sadd.s32 s5, s15;
	s15 =	simm.s32 $0xF980  }
0x1b5: {  	[hbm4b:s11+s6] =	stream.linear.scatter [tilespmem:s15], [sflag:$0x4], $0x1800, $0x38;
	[tilespmem:$0x1D980] =	vst v63  }
0x1b6: {  	s9 =	sadd.s32 $0x300, s9;
	s15 =	simm.s32 $0x11180;
	s11 =	rddreg [dreg:$0x1a]  }
0x1b7: {  	[hbm4b:s9+s6] =	stream.linear.scatter [tilespmem:s15], [sflag:$0x4], $0x1800, $0x38;
	[tilespmem:$0x1D980] =	vst v63  }
0x1b8: {  	s9 =	sadd.s32 s25, s11;
	s15 =	simm.s32 $0x12980;
	s11 =	rddreg [dreg:$0x18]  }
0x1b9: {  	[hbm4b:s9+s6] =	stream.linear.scatter [tilespmem:s15], [sflag:$0x4], $0x1000, $0x38;
	[tilespmem:$0x1D980] =	vst v63  }
0x1ba: {  	s9 =	sadd.s32 s30, s11;
	s15 =	simm.s32 $0x13980  }
0x1bb: {  	[hbm4b:s9+s6] =	stream.linear.scatter [tilespmem:s15], [sflag:$0x4], $0x4000, $0x38;
	[tilespmem:$0x1D980] =	vst v63  }
0x1bc: {  	s15 =	sadd.s32 $0x100, s29  }
0x1bd: {  	[hbm4b:s15+s6] =	stream.linear.scatter [tilespmem:s19], [sflag:$0x4], $0x800, $0x38;
	[tilespmem:$0x1D980] =	vst v63  }
0x1be: {  	s19 =	rddreg [dreg:$0x19]  }
0x1bf: {  	p0 =	seq.s32 s4, $0x1600;
	s9 =	sadd.s32 s30, s19  }
0x1c0: {  	[hbm4b:s9+s6] =	stream.linear.scatter [tilespmem:s2], [sflag:$0x4], $0x4000, $0x38;
	[tilespmem:$0x1D980] =	vst v63  }
.Ltmp2:
0x1c1: {  	_ = 	snop;
	(pc) =	sbr.rel @p0 .LBB2_4-.Ltmp2, $4  }
0x1c2: {  	s24 =	sadd.s32 $0x100, s24  }
0x1c3: {  	[hbm4b:s24+s6] =	stream.linear.scatter [tilespmem:s21], [sflag:$0x4], $0x800, $0x38;
	[tilespmem:$0x1D980] =	vst v63  }
0x1c4: {  	s13 =	simm.s32 $0x30;
	s14 =	simm.s32 $0x3180;
	s29 =	sadd.s32 $0x200, s26  }
0x1c5: {  	[hbm4b:s29+s6] =	stream.linear.scatter [tilespmem:s20], [sflag:$0x4], $0x1000, $0x38;
	[tilespmem:$0x1D980] =	vst v63  }
0x1c6: {  	_ =	swait.ge [sflag:s18], $0x1800  }
0x1c7: {  	[sflag:s18] =	ssyncset.done $0x0  }
0x1c8: {  	[sflag:s18] =	ssyncadd.s32 $0xFFFFE800  }
0x1c9: {  	_ =	swait.ge [sflag:s18], $0x1800  }
0x1ca: {  	[sflag:s18] =	ssyncset.done $0x0  }
0x1cb: {  	[sflag:s18] =	ssyncadd.s32 $0xFFFFE800  }
0x1cc: {  	_ =	swait.ge [sflag:s18], $0x1000  }
0x1cd: {  	[sflag:s18] =	ssyncset.done $0x0  }
0x1ce: {  	[sflag:s18] =	ssyncadd.s32 $0xFFFFF000  }
0x1cf: {  	_ =	swait.ge [sflag:s18], $0x4000  }
0x1d0: {  	[sflag:s18] =	ssyncset.done $0x0  }
0x1d1: {  	[sflag:s18] =	ssyncadd.s32 $0xFFFFC000  }
0x1d2: {  	_ =	swait.ge [sflag:s18], $0x800  }
0x1d3: {  	[sflag:s18] =	ssyncset.done $0x0  }
0x1d4: {  	[sflag:s18] =	ssyncadd.s32 $0xFFFFF800  }
0x1d5: {  	_ =	swait.ge [sflag:s18], $0x4000  }
0x1d6: {  	[sflag:s18] =	ssyncset.done $0x0  }
0x1d7: {  	[sflag:s18] =	ssyncadd.s32 $0xFFFFC000  }
0x1d8: {  	_ =	swait.ge [sflag:s18], $0x800  }
0x1d9: {  	[sflag:s18] =	ssyncset.done $0x0  }
0x1da: {  	[sflag:s18] =	ssyncadd.s32 $0xFFFFF800  }
0x1db: {  	_ =	swait.ge [sflag:s18], $0x1000  }
0x1dc: {  	[sflag:s18] =	ssyncset.done $0x0  }
0x1dd: {  	[sflag:s18] =	ssyncadd.s32 $0xFFFFF000  }
0x1de: {  	v3 =	vld [tilespmem:s23+$0x20];
	_ =	sdelay $0x4  }
0x1df: {  	v4 =	vshrl.u32 v3, $0x3  }
0x1e0: {  	v4 =	vmul.u32 $0x18, v4  }
0x1e1: {  	v3 =	vand.u32 $0x7, v3  }
0x1e2: {  	v3 =	vor.u32 v3, v4  }
0x1e3: {  	v4 =	vperm.xlane v3, v0;
	_ =	sdelay $0x1  }
0x1e4: {  	v4 =	vadd.s32 v1, v4;
	_ =	sdelay $0x1  }
0x1e5: {  	v3 =	vperm.xlane v3, v2;
	_ =	sdelay $0x1  }
0x1e6: {  	s2 =	simm.s32 $0x1980;
	v3 =	vadd.s32 v1, v3  }
0x1e7: {  	[tilespmem:s2], [sflag:$0x1] =	stream.indirect_vreg.gather [hbm4b:s0+s6], $0x80, v4, vm0, $0xb8;
	[tilespmem:$0x1D980] =	vst v63  }
0x1e8: {  	s9 =	simm.s32 $0x2180  }
0x1e9: {  	[tilespmem:s9], [sflag:$0x1] =	stream.indirect_vreg.gather [hbm4b:s8+s6], $0x80, v4, vm1, $0xb8;
	[tilespmem:$0x1D980] =	vst v63  }
0x1ea: {  	s20 =	simm.s32 $0x2580  }
0x1eb: {  	[tilespmem:s20], [sflag:$0x1] =	stream.indirect_vreg.gather [hbm4b:s0+s6], $0x80, v3, vm0, $0xb8;
	[tilespmem:$0x1D980] =	vst v63  }
0x1ec: {  	s21 =	simm.s32 $0x2D80  }
0x1ed: {  	[tilespmem:s21], [sflag:$0x1] =	stream.indirect_vreg.gather [hbm4b:s8+s6], $0x80, v3, vm1, $0xb8;
	[tilespmem:$0x1D980] =	vst v63  }
0x1ee: {  	s7 =	sadd.s32 $0x600, s7  }
0x1ef: {  	[tilespmem:s14], [sflag:$0x1] =	stream.indirect.gather [hbm4b:s1+s13], $0x80, s7, s13, $0xb8;
	[tilespmem:$0x1D980] =	vst v63  }
0x1f0: {  	s24 =	sadd.s32 $0x900, s10;
	s26 =	simm.s32 $0x4980;
	s29 =	simm.s32 $0x20  }
0x1f1: {  	[tilespmem:s26], [sflag:$0x1] =	stream.indirect.gather [hbm4b:s22+s29], $0x80, s24, s29, $0xb8;
	[tilespmem:$0x1D980] =	vst v63  }
0x1f2: {  	v3 =	vld [tilespmem:s31+$0x980];
	_ =	sdelay $0x4  }
0x1f3: {  	v55 =	vshll.u32 v3, $0x1  }
0x1f4: {  	v3 =	vand.u32 $0x7, v3;
	v4 =	vand.u32 $0xFFFFFFF0, v55  }
0x1f5: {  	v3 =	vor.u32 v3, v4  }
0x1f6: {  	v4 =	vperm.xlane v3, v0;
	_ =	sdelay $0x1  }
0x1f7: {  	v3 =	vperm.xlane v3, v2;
	v4 =	vadd.s32 v1, v4;
	_ =	sdelay $0x1  }
0x1f8: {  	v3 =	vadd.s32 v1, v3;
	_ =	sdelay $0x1  }
0x1f9: {  	s9 =	simm.s32 $0x5980  }
0x1fa: {  	[tilespmem:s9], [sflag:$0x1] =	stream.indirect_vreg.gather [hbm4b:s3+s6], $0x80, v4, vm0, $0xb8;
	[tilespmem:$0x1D980] =	vst v63  }
0x1fb: {  	s10 =	simm.s32 $0x6180  }
0x1fc: {  	[tilespmem:s10], [sflag:$0x1] =	stream.indirect_vreg.gather [hbm4b:s3+s6], $0x80, v3, vm0, $0xb8;
	[tilespmem:$0x1D980] =	vst v63  }
0x1fd: {  	v3 =	vld [tilespmem:s31+$0x990];
	_ =	sdelay $0x4  }
0x1fe: {  	v56 =	vshll.u32 v3, $0x1  }
0x1ff: {  	v3 =	vand.u32 $0x7, v3;
	v4 =	vand.u32 $0xFFFFFFF0, v56  }
0x200: {  	v3 =	vor.u32 v3, v4  }
0x201: {  	v4 =	vperm.xlane v3, v0;
	_ =	sdelay $0x1  }
0x202: {  	v3 =	vperm.xlane v3, v2;
	v4 =	vadd.s32 v1, v4;
	_ =	sdelay $0x1  }
0x203: {  	v3 =	vadd.s32 v1, v3;
	_ =	sdelay $0x1  }
0x204: {  	s11 =	simm.s32 $0x6980  }
0x205: {  	[tilespmem:s11], [sflag:$0x1] =	stream.indirect_vreg.gather [hbm4b:s3+s6], $0x80, v4, vm0, $0xb8;
	[tilespmem:$0x1D980] =	vst v63  }
0x206: {  	s13 =	simm.s32 $0x7180  }
0x207: {  	[tilespmem:s13], [sflag:$0x1] =	stream.indirect_vreg.gather [hbm4b:s3+s6], $0x80, v3, vm0, $0xb8;
	[tilespmem:$0x1D980] =	vst v63  }
0x208: {  	v3 =	vld [tilespmem:s31+$0x9A0];
	_ =	sdelay $0x4  }
0x209: {  	v57 =	vshll.u32 v3, $0x1  }
0x20a: {  	v3 =	vand.u32 $0x7, v3;
	v4 =	vand.u32 $0xFFFFFFF0, v57  }
0x20b: {  	v3 =	vor.u32 v3, v4  }
0x20c: {  	v4 =	vperm.xlane v3, v0;
	_ =	sdelay $0x1  }
0x20d: {  	v3 =	vperm.xlane v3, v2;
	v4 =	vadd.s32 v1, v4;
	_ =	sdelay $0x1  }
0x20e: {  	v3 =	vadd.s32 v1, v3;
	_ =	sdelay $0x1  }
0x20f: {  	s14 =	simm.s32 $0x7980  }
0x210: {  	[tilespmem:s14], [sflag:$0x1] =	stream.indirect_vreg.gather [hbm4b:s3+s6], $0x80, v4, vm0, $0xb8;
	[tilespmem:$0x1D980] =	vst v63  }
0x211: {  	s15 =	simm.s32 $0x8180  }
0x212: {  	[tilespmem:s15], [sflag:$0x1] =	stream.indirect_vreg.gather [hbm4b:s3+s6], $0x80, v3, vm0, $0xb8;
	[tilespmem:$0x1D980] =	vst v63  }
0x213: {  	v3 =	vld [tilespmem:s31+$0x9B0];
	_ =	sdelay $0x4  }
0x214: {  	v58 =	vshll.u32 v3, $0x1  }
0x215: {  	v3 =	vand.u32 $0x7, v3;
	v4 =	vand.u32 $0xFFFFFFF0, v58  }
0x216: {  	v3 =	vor.u32 v3, v4  }
0x217: {  	v4 =	vperm.xlane v3, v0;
	_ =	sdelay $0x1  }
0x218: {  	v3 =	vperm.xlane v3, v2;
	v4 =	vadd.s32 v1, v4;
	_ =	sdelay $0x1  }
0x219: {  	v3 =	vadd.s32 v1, v3;
	_ =	sdelay $0x1  }
0x21a: {  	s19 =	simm.s32 $0x8980  }
0x21b: {  	[tilespmem:s19], [sflag:$0x1] =	stream.indirect_vreg.gather [hbm4b:s3+s6], $0x80, v4, vm0, $0xb8;
	[tilespmem:$0x1D980] =	vst v63  }
0x21c: {  	s20 =	simm.s32 $0x9180  }
0x21d: {  	[tilespmem:s20], [sflag:$0x1] =	stream.indirect_vreg.gather [hbm4b:s3+s6], $0x80, v3, vm0, $0xb8;
	[tilespmem:$0x1D980] =	vst v63  }
0x21e: {  	s21 =	sadd.s32 $0xF20, s23;
	s24 =	simm.s32 $0x10;
	s26 =	simm.s32 $0x9980  }
0x21f: {  	[tilespmem:s26], [sflag:$0x1] =	stream.indirect.gather [hbm4b:s1+s24], $0x80, s21, s24, $0xb8;
	[tilespmem:$0x1D980] =	vst v63  }
0x220: {  	v3 =	vld [tilespmem:s31+$0x1100];
	_ =	sdelay $0x4  }
0x221: {  	v59 =	vshll.u32 v3, $0x1  }
0x222: {  	v3 =	vand.u32 $0x7, v3;
	v4 =	vand.u32 $0xFFFFFFF0, v59  }
0x223: {  	v3 =	vor.u32 v3, v4  }
0x224: {  	v4 =	vperm.xlane v3, v0;
	_ =	sdelay $0x1  }
0x225: {  	v3 =	vperm.xlane v3, v2;
	v4 =	vadd.s32 v1, v4;
	_ =	sdelay $0x1  }
0x226: {  	v3 =	vadd.s32 v1, v3;
	_ =	sdelay $0x1  }
0x227: {  	s29 =	simm.s32 $0xA180  }
0x228: {  	[tilespmem:s29], [sflag:$0x1] =	stream.indirect_vreg.gather [hbm4b:s3+s6], $0x80, v4, vm0, $0xb8;
	[tilespmem:$0x1D980] =	vst v63  }
0x229: {  	s7 =	simm.s32 $0xA980  }
0x22a: {  	[tilespmem:s7], [sflag:$0x1] =	stream.indirect_vreg.gather [hbm4b:s3+s6], $0x80, v3, vm0, $0xb8;
	[tilespmem:$0x1D980] =	vst v63  }
0x22b: {  	v3 =	vld [tilespmem:s31+$0x1110];
	_ =	sdelay $0x4  }
0x22c: {  	v60 =	vshll.u32 v3, $0x1  }
0x22d: {  	v3 =	vand.u32 $0x7, v3;
	v4 =	vand.u32 $0xFFFFFFF0, v60  }
0x22e: {  	v3 =	vor.u32 v3, v4  }
0x22f: {  	v4 =	vperm.xlane v3, v0;
	_ =	sdelay $0x1  }
0x230: {  	v3 =	vperm.xlane v3, v2;
	v4 =	vadd.s32 v1, v4;
	_ =	sdelay $0x1  }
0x231: {  	v3 =	vadd.s32 v1, v3;
	_ =	sdelay $0x1  }
0x232: {  	s10 =	simm.s32 $0xB180  }
0x233: {  	[tilespmem:s10], [sflag:$0x1] =	stream.indirect_vreg.gather [hbm4b:s3+s6], $0x80, v4, vm0, $0xb8;
	[tilespmem:$0x1D980] =	vst v63  }
0x234: {  	s11 =	simm.s32 $0xB980  }
0x235: {  	[tilespmem:s11], [sflag:$0x1] =	stream.indirect_vreg.gather [hbm4b:s3+s6], $0x80, v3, vm0, $0xb8;
	[tilespmem:$0x1D980] =	vst v63  }
0x236: {  	v3 =	vld [tilespmem:s31+$0x1120];
	_ =	sdelay $0x4  }
0x237: {  	v61 =	vshll.u32 v3, $0x1  }
0x238: {  	v3 =	vand.u32 $0x7, v3;
	v4 =	vand.u32 $0xFFFFFFF0, v61  }
0x239: {  	v3 =	vor.u32 v3, v4  }
0x23a: {  	v4 =	vperm.xlane v3, v0;
	_ =	sdelay $0x1  }
0x23b: {  	v3 =	vperm.xlane v3, v2;
	v4 =	vadd.s32 v1, v4;
	_ =	sdelay $0x1  }
0x23c: {  	v3 =	vadd.s32 v1, v3;
	_ =	sdelay $0x1  }
0x23d: {  	s13 =	simm.s32 $0xC180  }
0x23e: {  	[tilespmem:s13], [sflag:$0x1] =	stream.indirect_vreg.gather [hbm4b:s3+s6], $0x80, v4, vm0, $0xb8;
	[tilespmem:$0x1D980] =	vst v63  }
0x23f: {  	s14 =	simm.s32 $0xC980  }
0x240: {  	[tilespmem:s14], [sflag:$0x1] =	stream.indirect_vreg.gather [hbm4b:s3+s6], $0x80, v3, vm0, $0xb8;
	[tilespmem:$0x1D980] =	vst v63  }
0x241: {  	v3 =	vld [tilespmem:s31+$0x1130];
	_ =	sdelay $0x4  }
0x242: {  	v62 =	vshll.u32 v3, $0x1  }
0x243: {  	v3 =	vand.u32 $0x7, v3;
	v4 =	vand.u32 $0xFFFFFFF0, v62  }
0x244: {  	v3 =	vor.u32 v3, v4  }
0x245: {  	v4 =	vperm.xlane v3, v0;
	_ =	sdelay $0x1  }
0x246: {  	v3 =	vperm.xlane v3, v2;
	v4 =	vadd.s32 v1, v4;
	_ =	sdelay $0x1  }
0x247: {  	v3 =	vadd.s32 v1, v3;
	_ =	sdelay $0x1  }
0x248: {  	s15 =	simm.s32 $0xD180  }
0x249: {  	[tilespmem:s15], [sflag:$0x1] =	stream.indirect_vreg.gather [hbm4b:s3+s6], $0x80, v4, vm0, $0xb8;
	[tilespmem:$0x1D980] =	vst v63  }
0x24a: {  	s19 =	simm.s32 $0xD980  }
0x24b: {  	[tilespmem:s19], [sflag:$0x1] =	stream.indirect_vreg.gather [hbm4b:s3+s6], $0x80, v3, vm0, $0xb8;
	[tilespmem:$0x1D980] =	vst v63  }
0x24c: {  	s20 =	sadd.s32 $0x16A0, s23;
	s21 =	simm.s32 $0xE180  }
0x24d: {  	[tilespmem:s21], [sflag:$0x1] =	stream.indirect.gather [hbm4b:s22+s24], $0x80, s20, s24, $0xb8;
	[tilespmem:$0x1D980] =	vst v63  }
0x24e: {  	v3 =	vld [tilespmem:s23+$0x1820];
	_ =	sdelay $0x4  }
0x24f: {  	v63 =	vshll.u32 v3, $0x1  }
0x250: {  	v3 =	vand.u32 $0x7, v3;
	v4 =	vand.u32 $0xFFFFFFF0, v63  }
0x251: {  	v3 =	vor.u32 v3, v4  }
0x252: {  	v4 =	vperm.xlane v3, v0  }
0x253: {  	s5 =	sadd.s32 $0x600, s5;
	s4 =	sadd.s32 $0x200, s4;
	s30 =	sadd.s32 $0x1000, s30  }
0x254: {  	s25 =	sadd.s32 $0x400, s25;
	s9 =	simm.s32 $0x1980;
	s29 =	rddreg [dreg:$0x1d];
	v3 =	vperm.xlane v3, v2;
	v4 =	vadd.s32 v1, v4  }
0x255: {  	s26 =	simm.s32 $0xF180;
	s2 =	sadd.s32 $0x80, s29;
	s10 =	simm.s32 $0x3180  }
0x256: {  	s11 =	simm.s32 $0x30;
	s13 =	simm.s32 $0x20;
	s14 =	simm.s32 $0x4980;
	v3 =	vadd.s32 v1, v3  }
.Ltmp3:
0x257: {  	s31 =	sadd.s32 $0x100, s12;
	s12 =	sadd.s32 $0x180, s16;
	(pc) =	sbr.rel .LBB2_2-.Ltmp3, $4  }
0x258: {  	s16 =	simm.s32 $0x9980;
	s15 =	simm.s32 $0x5980;
	s24 =	simm.s32 $0xE980  }
0x259: {  	[tilespmem:s24], [sflag:$0x1] =	stream.indirect_vreg.gather [hbm4b:s3+s6], $0x80, v4, vm0, $0xb8;
	[tilespmem:$0x1D980] =	vst v63  }
0x25a: {  	s19 =	simm.s32 $0xA180;
	s20 =	simm.s32 $0xE180;
	s21 =	simm.s32 $0xE980  }
0x25b: {  	[tilespmem:s26], [sflag:$0x1] =	stream.indirect_vreg.gather [hbm4b:s3+s6], $0x80, v3, vm0, $0xb8;
	[tilespmem:$0x1D980] =	vst v63  }
.LBB2_5:
0x25c: {  	_ =	sfence.sel $0x180000  }
0x25d: {  	[bflag:$0x0] =	sbarrier.arrive $0xFFFF  }
0x25e: {  	_ =	strace $0x90000047  }
0x25f: {  	s0 =	stileid.u32;
	[bflag:$0x2] =	sbarrier.arrive $0xFFFF  }
0x260: {  	p0 =	sne.s32 s0, $0x0;
	s0 =	rddreg [dreg:$0xd]  }
0x261: {  	s0 =	sadd.s32 @!p0 $0x100000, s0  }
0x262: {  	[sflag:s0] =	ssyncadd.tile.s32 @!p0 $0x1;
	_ =	shalt  }
.Lfunc_end2:
_tile_overlayer_lowered:
.L_overlay_start_2:
0x263: {  	(tag) =	ssettag $0x2  }
0x264: {  	s0 =	rddreg [dreg:$0x0];
	s2 =	stileid.u32  }
0x265: {  	s1 =	rddreg [dreg:$0x1];
	p0 =	sne.s32 s2, $0x0  }
0x266: {  	s3 =	rddreg [dreg:$0x2];
	[bflag:$0x3] =	sbarrier.arrive $0xFFFF;
	s2 =	simm.s32 @!p0 $0x1C05  }
0x267: {  	[timem:s3], [sflag:s2] =	dma.local @!p0 [hbm:s0], s1  }
0x268: {  	s0 =	simm.s32 @!p0 $0x5  }
0x269: {  	_ =	swait.ge @!p0 [sflag:s0], s1  }
0x26a: {  	s1 =	ssub.s32 @!p0 $0x0, s1;
	[sflag:s0] =	ssyncset.done @!p0 $0x0  }
0x26b: {  	[sflag:s0] =	ssyncadd.s32 @!p0 s1  }
0x26c: {  	[bflag:$0x3] =	sbarrier.arrive $0xFFFF  }
0x26d: {  	_ =	shalt  }

</sc_bundles>
